<compile_context>
chip_gen: v7x
topology: tpu7x:2x2x1
jax: 0.10.2.dev20260603
libtpu: 0.0.44.dev20260713+nightly
codegen_flags: <defaults>
</compile_context>

<pallas_src>
import jax
import jax.numpy as jnp
from jax import lax
from jax.experimental import pallas as pl
from jax.experimental.pallas import tpu as pltpu
from jax.experimental.pallas import tpu_sc as plsc

N = 10000
E = 320000
F = 128
NUM_RELS = 8
NUM_BASES = 4

NPAD = 10240
NC = 2
NS = 16
NW = NC * NS
CH = 128
NCHUNK = 79
EPT = NCHUNK * CH
EPAD = EPT * NW
ROWS_PER_TILE = NPAD // NS
RBLK = 512


def _z_body(coeff_ref, x_ref, w_ref, z_ref, wcat_ref):
    @pl.when(pl.program_id(0) == 0)
    def _():
        for r in range(NUM_RELS):
            acc = w_ref[0] * coeff_ref[r, 0]
            for b in range(1, NUM_BASES):
                acc = acc + w_ref[b] * coeff_ref[r, b]
            wcat_ref[:, r * F:(r + 1) * F] = acc

    y = jnp.dot(x_ref[...], wcat_ref[...], preferred_element_type=jnp.float32)
    for r in range(NUM_RELS):
        z_ref[r] = y[:, r * F:(r + 1) * F]


def _compute_z(featp, w, coeff):
    grid = NPAD // RBLK
    return pl.pallas_call(
        _z_body,
        grid=(grid,),
        in_specs=[
            pl.BlockSpec(memory_space=pltpu.SMEM),
            pl.BlockSpec((RBLK, F), lambda i: (i, 0)),
            pl.BlockSpec((NUM_BASES, F, F), lambda i: (0, 0, 0)),
        ],
        out_specs=pl.BlockSpec((NUM_RELS, RBLK, F), lambda i: (0, i, 0)),
        out_shape=jax.ShapeDtypeStruct((NUM_RELS, NPAD, F), jnp.float32),
        scratch_shapes=[pltpu.VMEM((F, NUM_RELS * F), jnp.float32)],
    )(coeff, featp, w)


def _sc_body(z_hbm, srcb, etyb, dstb, zeros_hbm, out_hbm,
             src_v, ety_v, dst_v, rows_v, acc, sem):
    cid = lax.axis_index("c")
    sid = lax.axis_index("s")
    wid = sid * NC + cid

    pltpu.sync_copy(zeros_hbm.at[pl.ds(sid * ROWS_PER_TILE, ROWS_PER_TILE)],
                    acc.at[pl.ds(sid * ROWS_PER_TILE, ROWS_PER_TILE)])

    pltpu.sync_copy(srcb.at[wid], src_v)
    pltpu.sync_copy(etyb.at[wid], ety_v)
    pltpu.sync_copy(dstb.at[wid], dst_v)

    def idx_body(i, _):
        off = pl.multiple_of(i * 16, 16)
        s = src_v[pl.ds(off, 16)]
        t = ety_v[pl.ds(off, 16)]
        src_v[pl.ds(off, 16)] = t * NPAD + s
        return 0

    lax.fori_loop(0, EPT // 16, idx_body, 0)

    plsc.subcore_barrier()

    def chunk_body(c, _):
        off = pl.multiple_of(c * CH, CH)
        idx = src_v.at[pl.ds(off, CH)]
        pltpu.async_copy(z_hbm.at[idx], rows_v, sem).wait()
        pltpu.sync_copy(rows_v, acc.at[dst_v.at[c]], add=True)
        return 0

    lax.fori_loop(0, NCHUNK, chunk_body, 0)

    plsc.subcore_barrier()

    pltpu.sync_copy(acc.at[pl.ds(sid * ROWS_PER_TILE, ROWS_PER_TILE)],
                    out_hbm.at[cid, pl.ds(sid * ROWS_PER_TILE, ROWS_PER_TILE)])


def _sc_aggregate(zflat, srcb, etyb, dstb, zeros):
    mesh = plsc.VectorSubcoreMesh(core_axis_name="c", subcore_axis_name="s")
    run = pl.kernel(
        _sc_body,
        mesh=mesh,
        out_type=jax.ShapeDtypeStruct((NC, NPAD, F), jnp.float32),
        scratch_types=[
            pltpu.VMEM((EPT,), jnp.int32),
            pltpu.VMEM((EPT,), jnp.int32),
            pltpu.VMEM((NCHUNK, CH), jnp.int32),
            pltpu.VMEM((CH, F), jnp.float32),
            pltpu.VMEM_SHARED((NPAD, F), jnp.float32),
            pltpu.SemaphoreType.DMA,
        ],
    )
    return run(zflat, srcb, etyb, dstb, zeros)


def _combine_body(a0_ref, a1_ref, x_ref, lw_ref, b_ref, o_ref):
    o_ref[...] = (
        a0_ref[0]
        + a1_ref[0]
        + jnp.dot(x_ref[...], lw_ref[...], preferred_element_type=jnp.float32)
        + b_ref[...]
    )


CBLK = 400


def _combine(accs, feat, loop_weight, h_bias):
    return pl.pallas_call(
        _combine_body,
        grid=(N // CBLK,),
        in_specs=[
            pl.BlockSpec((1, CBLK, F), lambda i: (0, i, 0)),
            pl.BlockSpec((1, CBLK, F), lambda i: (1, i, 0)),
            pl.BlockSpec((CBLK, F), lambda i: (i, 0)),
            pl.BlockSpec((F, F), lambda i: (0, 0)),
            pl.BlockSpec((1, F), lambda i: (0, 0)),
        ],
        out_specs=pl.BlockSpec((CBLK, F), lambda i: (i, 0)),
        out_shape=jax.ShapeDtypeStruct((N, F), jnp.float32),
    )(accs, accs, feat, loop_weight, h_bias.reshape(1, F))


def kernel(feat, edge_index, edge_types, W, coeff, h_bias, loop_weight):
    src = edge_index[0].astype(jnp.int32)
    dst = edge_index[1].astype(jnp.int32)
    ety = edge_types.astype(jnp.int32)

    pad = EPAD - E
    src_p = jnp.concatenate([src, jnp.zeros((pad,), jnp.int32)])
    ety_p = jnp.concatenate([ety, jnp.zeros((pad,), jnp.int32)])
    dst_p = jnp.concatenate([dst, jnp.full((pad,), N, jnp.int32)])

    srcb = src_p.reshape(NW, EPT)
    etyb = ety_p.reshape(NW, EPT)
    dstb = dst_p.reshape(NW, NCHUNK, CH)

    featp = jnp.pad(feat, ((0, NPAD - N), (0, 0)))
    zeros = jnp.zeros((NPAD, F), jnp.float32)

    z = _compute_z(featp, W, coeff).reshape(NUM_RELS * NPAD, F)
    accs = _sc_aggregate(z, srcb, etyb, dstb, zeros)
    return _combine(accs, feat, loop_weight, h_bias)

# --- scband reference (transcript-rebuilt; emitter-appended) ---
"""Pipeline reference for scband-rel-graph-conv-78005196030450 (READ-ONLY COPY).

The authoritative reference and input builder live on the scoring server;
editing this copy changes nothing except your own understanding.
"""

import jax, jax.numpy as jnp
import numpy as np

N = 10000
E = 320000
IN_FEAT = 128
OUT_FEAT = 128
NUM_RELS = 8
NUM_BASES = 4


def setup_inputs(seed: int = 0) -> dict:
    key = jax.random.key(seed)
    k1, k2, k3, k4, k5, k6, k7 = jax.random.split(key, 7)
    feat = jax.random.normal(k1, (N, IN_FEAT), dtype=jnp.float32)
    edge_index = jax.random.randint(k2, (2, E), 0, N)
    edge_types = jax.random.randint(k3, (E,), 0, NUM_RELS)
    bound = 1.0 / np.sqrt(IN_FEAT)
    W = jax.random.uniform(k4, (NUM_BASES, IN_FEAT, OUT_FEAT), dtype=jnp.float32, minval=-bound, maxval=bound)
    # xavier_uniform for coeff: fan_in=num_bases, fan_out collapses; approximate with uniform xavier
    cb = np.sqrt(6.0 / (NUM_RELS + NUM_BASES))
    coeff = jax.random.uniform(k5, (NUM_RELS, NUM_BASES), dtype=jnp.float32, minval=-cb, maxval=cb)
    h_bias = jnp.zeros((OUT_FEAT,), dtype=jnp.float32)
    lb = np.sqrt(2.0) * np.sqrt(6.0 / (IN_FEAT + OUT_FEAT))
    loop_weight = jax.random.uniform(k6, (IN_FEAT, OUT_FEAT), dtype=jnp.float32, minval=-lb, maxval=lb)
    return {
        "feat": feat,
        "edge_index": edge_index,
        "edge_types": edge_types,
        "W": W,
        "coeff": coeff,
        "h_bias": h_bias,
        "loop_weight": loop_weight,
    }


def reference(feat, edge_index, edge_types, W, coeff, h_bias, loop_weight):
    # R-GCN aggregation with basis decomposition (cugraph-ops agg_hg_basis_post_fwd):
    # agg[dst, b*IN:(b+1)*IN] = sum_{e: dst(e)=dst} coeff[etype(e), b] * feat[src(e)]
    src = edge_index[0]
    dst = edge_index[1]
    msg = feat[src]                      # gather: [E, IN]
    c = coeff[edge_types]                # gather: [E, NUM_BASES]
    aggs = []
    for b in range(NUM_BASES):
        weighted = msg * c[:, b][:, None]                      # [E, IN]
        aggs.append(jax.ops.segment_sum(weighted, dst, num_segments=N))  # scatter-add
    agg = jnp.concatenate(aggs, axis=1)  # [N, NUM_BASES*IN]
    # post aggregation: linear projection with basis-combined weight
    h = agg @ W.reshape(NUM_BASES * IN_FEAT, OUT_FEAT)
    # self loop
    h = h + feat @ loop_weight
    # bias (dropout=0.0 identity, no layer_norm, no activation)
    h = h + h_bias
    return h

if __name__ == "__main__":
    import jax
    _d = setup_inputs()
    print(jax.jit(kernel)(*tuple(_d.values())))

</pallas_src>

<mosaic_0001>
#map = affine_map<(d0, d1) -> (0, 0)>
#map1 = affine_map<(d0, d1) -> (0, 0, 0)>
module attributes {stable_mosaic.version = 14 : i64} {
  func.func @_sc_body(%arg0: i32, %arg1: i32, %arg2: memref<81920x128xf32, #tpu.memory_space<hbm>>, %arg3: memref<32x10112xi32, #tpu.memory_space<hbm>>, %arg4: memref<32x10112xi32, #tpu.memory_space<hbm>>, %arg5: memref<32x79x128xi32, #tpu.memory_space<hbm>>, %arg6: memref<10240x128xf32, #tpu.memory_space<hbm>>, %arg7: memref<2x10240x128xf32, #tpu.memory_space<hbm>>, %arg8: memref<10112xi32, #tpu.memory_space<vmem>>, %arg9: memref<10112xi32, #tpu.memory_space<vmem>>, %arg10: memref<79x128xi32, #tpu.memory_space<vmem>>, %arg11: memref<128x128xf32, #tpu.memory_space<vmem>>, %arg12: memref<10240x128xf32, #tpu.memory_space<vmem_shared>>, %arg13: memref<!tpu.dma_semaphore, #tpu.memory_space<semaphore_mem>>) attributes {dimension_semantics = [#tpu.dimension_semantics<core_parallel>, #tpu.dimension_semantics<subcore_parallel>], iteration_bounds = array<i64: 2, 16>, scalar_prefetch = 0 : i64, scratch_operands = 6 : i64, tpu.core_type = #tpu.core_type<sc_vector_subcore>, window_params = [{transform_indices = #map}, {transform_indices = #map}, {transform_indices = #map}, {transform_indices = #map1}, {transform_indices = #map}, {transform_indices = #map1}]} {
    %mul3A = arith.constant 2 : i32
    %mul3A_0 = arith.muli %arg1, %mul3A : i32
    %add3A = arith.addi %mul3A_0, %arg0 : i32
    %mul3A_1 = arith.constant 640 : i32
    %mul3A_2 = arith.muli %arg1, %mul3A_1 : i32
    %mul3A_3 = arith.constant 640 : i32
    %mul3A_4 = arith.muli %arg1, %mul3A_3 : i32
    "tpu.region"() ({
      %run_scoped3A = tpu.sem_alloc : memref<!tpu.dma_semaphore, #tpu.memory_space<semaphore_mem>>
      %dma_start3A = arith.constant 0 : i32
      %dma_start3A_23 = tpu.memref_slice %arg12[%mul3A_4, %dma_start3A] : memref<10240x128xf32, #tpu.memory_space<vmem_shared>> -> memref<640x128xf32, #tpu.memory_space<vmem_shared>>
      %dma_start3A_24 = arith.constant 0 : i32
      %dma_start3A_25 = tpu.memref_slice %arg6[%mul3A_2, %dma_start3A_24] : memref<10240x128xf32, #tpu.memory_space<hbm>> -> memref<640x128xf32, #tpu.memory_space<hbm>>
      tpu.enqueue_dma source(%dma_start3A_25 : memref<640x128xf32, #tpu.memory_space<hbm>>) target(%dma_start3A_23 : memref<640x128xf32, #tpu.memory_space<vmem_shared>>) target_semaphore(%run_scoped3A : memref<!tpu.dma_semaphore, #tpu.memory_space<semaphore_mem>>)
      %dma_wait3A = arith.constant 0 : i32
      %dma_wait3A_26 = tpu.memref_slice %arg12[%mul3A_4, %dma_wait3A] : memref<10240x128xf32, #tpu.memory_space<vmem_shared>> -> memref<640x128xf32, #tpu.memory_space<vmem_shared>>
      %dma_wait3A_27 = arith.constant 0 : i32
      %dma_wait3A_28 = tpu.memref_slice %arg6[%mul3A_2, %dma_wait3A_27] : memref<10240x128xf32, #tpu.memory_space<hbm>> -> memref<640x128xf32, #tpu.memory_space<hbm>>
      tpu.wait_dma2 semaphore(%run_scoped3A : memref<!tpu.dma_semaphore, #tpu.memory_space<semaphore_mem>>) src(%dma_wait3A_28 : memref<640x128xf32, #tpu.memory_space<hbm>>) dst(%dma_wait3A_26 : memref<640x128xf32, #tpu.memory_space<vmem_shared>>)
      tpu.yield
    }) : () -> ()
    "tpu.region"() ({
      %run_scoped3A = tpu.sem_alloc : memref<!tpu.dma_semaphore, #tpu.memory_space<semaphore_mem>>
      %dma_start3A = arith.constant 0 : i32
      %dma_start3A_23 = tpu.memref_slice %arg3[%add3A, %dma_start3A] : memref<32x10112xi32, #tpu.memory_space<hbm>> -> memref<1x10112xi32, #tpu.memory_space<hbm>>
      %dma_start3A_24 = tpu.memref_squeeze %dma_start3A_23 : memref<1x10112xi32, #tpu.memory_space<hbm>> -> memref<10112xi32, #tpu.memory_space<hbm>>
      %dma_start3A_25 = arith.constant 0 : i32
      %dma_start3A_26 = tpu.memref_slice %arg3[%add3A, %dma_start3A_25] : memref<32x10112xi32, #tpu.memory_space<hbm>> -> memref<1x10112xi32, #tpu.memory_space<hbm>>
      %dma_start3A_27 = tpu.memref_squeeze %dma_start3A_26 : memref<1x10112xi32, #tpu.memory_space<hbm>> -> memref<10112xi32, #tpu.memory_space<hbm>>
      tpu.enqueue_dma source(%dma_start3A_27 : memref<10112xi32, #tpu.memory_space<hbm>>) target(%arg8 : memref<10112xi32, #tpu.memory_space<vmem>>) target_semaphore(%run_scoped3A : memref<!tpu.dma_semaphore, #tpu.memory_space<semaphore_mem>>)
      %dma_wait3A = arith.constant 0 : i32
      %dma_wait3A_28 = tpu.memref_slice %arg3[%add3A, %dma_wait3A] : memref<32x10112xi32, #tpu.memory_space<hbm>> -> memref<1x10112xi32, #tpu.memory_space<hbm>>
      %dma_wait3A_29 = tpu.memref_squeeze %dma_wait3A_28 : memref<1x10112xi32, #tpu.memory_space<hbm>> -> memref<10112xi32, #tpu.memory_space<hbm>>
      %dma_wait3A_30 = arith.constant 0 : i32
      %dma_wait3A_31 = tpu.memref_slice %arg3[%add3A, %dma_wait3A_30] : memref<32x10112xi32, #tpu.memory_space<hbm>> -> memref<1x10112xi32, #tpu.memory_space<hbm>>
      %dma_wait3A_32 = tpu.memref_squeeze %dma_wait3A_31 : memref<1x10112xi32, #tpu.memory_space<hbm>> -> memref<10112xi32, #tpu.memory_space<hbm>>
      tpu.wait_dma2 semaphore(%run_scoped3A : memref<!tpu.dma_semaphore, #tpu.memory_space<semaphore_mem>>) src(%dma_wait3A_32 : memref<10112xi32, #tpu.memory_space<hbm>>) dst(%arg8 : memref<10112xi32, #tpu.memory_space<vmem>>)
      tpu.yield
    }) : () -> ()
    "tpu.region"() ({
      %run_scoped3A = tpu.sem_alloc : memref<!tpu.dma_semaphore, #tpu.memory_space<semaphore_mem>>
      %dma_start3A = arith.constant 0 : i32
      %dma_start3A_23 = tpu.memref_slice %arg4[%add3A, %dma_start3A] : memref<32x10112xi32, #tpu.memory_space<hbm>> -> memref<1x10112xi32, #tpu.memory_space<hbm>>
      %dma_start3A_24 = tpu.memref_squeeze %dma_start3A_23 : memref<1x10112xi32, #tpu.memory_space<hbm>> -> memref<10112xi32, #tpu.memory_space<hbm>>
      %dma_start3A_25 = arith.constant 0 : i32
      %dma_start3A_26 = tpu.memref_slice %arg4[%add3A, %dma_start3A_25] : memref<32x10112xi32, #tpu.memory_space<hbm>> -> memref<1x10112xi32, #tpu.memory_space<hbm>>
      %dma_start3A_27 = tpu.memref_squeeze %dma_start3A_26 : memref<1x10112xi32, #tpu.memory_space<hbm>> -> memref<10112xi32, #tpu.memory_space<hbm>>
      tpu.enqueue_dma source(%dma_start3A_27 : memref<10112xi32, #tpu.memory_space<hbm>>) target(%arg9 : memref<10112xi32, #tpu.memory_space<vmem>>) target_semaphore(%run_scoped3A : memref<!tpu.dma_semaphore, #tpu.memory_space<semaphore_mem>>)
      %dma_wait3A = arith.constant 0 : i32
      %dma_wait3A_28 = tpu.memref_slice %arg4[%add3A, %dma_wait3A] : memref<32x10112xi32, #tpu.memory_space<hbm>> -> memref<1x10112xi32, #tpu.memory_space<hbm>>
      %dma_wait3A_29 = tpu.memref_squeeze %dma_wait3A_28 : memref<1x10112xi32, #tpu.memory_space<hbm>> -> memref<10112xi32, #tpu.memory_space<hbm>>
      %dma_wait3A_30 = arith.constant 0 : i32
      %dma_wait3A_31 = tpu.memref_slice %arg4[%add3A, %dma_wait3A_30] : memref<32x10112xi32, #tpu.memory_space<hbm>> -> memref<1x10112xi32, #tpu.memory_space<hbm>>
      %dma_wait3A_32 = tpu.memref_squeeze %dma_wait3A_31 : memref<1x10112xi32, #tpu.memory_space<hbm>> -> memref<10112xi32, #tpu.memory_space<hbm>>
      tpu.wait_dma2 semaphore(%run_scoped3A : memref<!tpu.dma_semaphore, #tpu.memory_space<semaphore_mem>>) src(%dma_wait3A_32 : memref<10112xi32, #tpu.memory_space<hbm>>) dst(%arg9 : memref<10112xi32, #tpu.memory_space<vmem>>)
      tpu.yield
    }) : () -> ()
    "tpu.region"() ({
      %run_scoped3A = tpu.sem_alloc : memref<!tpu.dma_semaphore, #tpu.memory_space<semaphore_mem>>
      %dma_start3A = arith.constant 0 : i32
      %dma_start3A_23 = arith.constant 0 : i32
      %dma_start3A_24 = tpu.memref_slice %arg5[%add3A, %dma_start3A, %dma_start3A_23] : memref<32x79x128xi32, #tpu.memory_space<hbm>> -> memref<1x79x128xi32, #tpu.memory_space<hbm>>
      %dma_start3A_25 = tpu.memref_squeeze %dma_start3A_24 : memref<1x79x128xi32, #tpu.memory_space<hbm>> -> memref<79x128xi32, #tpu.memory_space<hbm>>
      %dma_start3A_26 = arith.constant 0 : i32
      %dma_start3A_27 = arith.constant 0 : i32
      %dma_start3A_28 = tpu.memref_slice %arg5[%add3A, %dma_start3A_26, %dma_start3A_27] : memref<32x79x128xi32, #tpu.memory_space<hbm>> -> memref<1x79x128xi32, #tpu.memory_space<hbm>>
      %dma_start3A_29 = tpu.memref_squeeze %dma_start3A_28 : memref<1x79x128xi32, #tpu.memory_space<hbm>> -> memref<79x128xi32, #tpu.memory_space<hbm>>
      tpu.enqueue_dma source(%dma_start3A_29 : memref<79x128xi32, #tpu.memory_space<hbm>>) target(%arg10 : memref<79x128xi32, #tpu.memory_space<vmem>>) target_semaphore(%run_scoped3A : memref<!tpu.dma_semaphore, #tpu.memory_space<semaphore_mem>>)
      %dma_wait3A = arith.constant 0 : i32
      %dma_wait3A_30 = arith.constant 0 : i32
      %dma_wait3A_31 = tpu.memref_slice %arg5[%add3A, %dma_wait3A, %dma_wait3A_30] : memref<32x79x128xi32, #tpu.memory_space<hbm>> -> memref<1x79x128xi32, #tpu.memory_space<hbm>>
      %dma_wait3A_32 = tpu.memref_squeeze %dma_wait3A_31 : memref<1x79x128xi32, #tpu.memory_space<hbm>> -> memref<79x128xi32, #tpu.memory_space<hbm>>
      %dma_wait3A_33 = arith.constant 0 : i32
      %dma_wait3A_34 = arith.constant 0 : i32
      %dma_wait3A_35 = tpu.memref_slice %arg5[%add3A, %dma_wait3A_33, %dma_wait3A_34] : memref<32x79x128xi32, #tpu.memory_space<hbm>> -> memref<1x79x128xi32, #tpu.memory_space<hbm>>
      %dma_wait3A_36 = tpu.memref_squeeze %dma_wait3A_35 : memref<1x79x128xi32, #tpu.memory_space<hbm>> -> memref<79x128xi32, #tpu.memory_space<hbm>>
      tpu.wait_dma2 semaphore(%run_scoped3A : memref<!tpu.dma_semaphore, #tpu.memory_space<semaphore_mem>>) src(%dma_wait3A_36 : memref<79x128xi32, #tpu.memory_space<hbm>>) dst(%arg10 : memref<79x128xi32, #tpu.memory_space<vmem>>)
      tpu.yield
    }) : () -> ()
    %scan3A = arith.constant 0 : i32
    %scan3A_5 = arith.constant 0 : i32
    %scan3A_6 = arith.constant 632 : i32
    %scan3A_7 = arith.addi %scan3A_5, %scan3A_6 : i32
    %scan3A_8 = arith.constant 1 : i32
    %scan3A_9 = scf.for %scan3A_23 = %scan3A_5 to %scan3A_7 step %scan3A_8 iter_args(%scan3A_24 = %scan3A) -> (i32)  : i32 {
      %mul3A_25 = arith.constant 16 : i32
      %mul3A_26 = arith.muli %scan3A_23, %mul3A_25 : i32
      %multiple_of3A = tpu.assume_multiple %mul3A_26, 16 : i32
      %get3A = arith.index_cast %multiple_of3A : i32 to index
      %get3A_27 = tpu.vector_load %arg8[%get3A] {strides = array<i32>} : memref<10112xi32, #tpu.memory_space<vmem>>, vector<16xi32>,
      %get3A_28 = vector.shape_cast %get3A_27 : vector<16xi32> to vector<16xi32>
      %get3A_29 = arith.index_cast %multiple_of3A : i32 to index
      %get3A_30 = tpu.vector_load %arg9[%get3A_29] {strides = array<i32>} : memref<10112xi32, #tpu.memory_space<vmem>>, vector<16xi32>,
      %get3A_31 = vector.shape_cast %get3A_30 : vector<16xi32> to vector<16xi32>
      %mul3A_32 = arith.constant 10240 : i32
      %mul3A_33 = vector.broadcast %mul3A_32 : i32 to vector<16xi32>
      %mul3A_34 = arith.muli %get3A_31, %mul3A_33 : vector<16xi32>
      %add3A_35 = arith.addi %mul3A_34, %get3A_28 : vector<16xi32>
      %swap3A = arith.index_cast %multiple_of3A : i32 to index
      %swap3A_36 = tpu.vector_load %arg8[%swap3A] {strides = array<i32>} : memref<10112xi32, #tpu.memory_space<vmem>>, vector<16xi32>,
      %swap3A_37 = vector.shape_cast %swap3A_36 : vector<16xi32> to vector<16xi32>
      %swap3A_38 = vector.shape_cast %add3A_35 : vector<16xi32> to vector<16xi32>
      tpu.vector_store %arg8[%swap3A], %swap3A_38 {strides = array<i32>} : memref<10112xi32, #tpu.memory_space<vmem>>, vector<16xi32>,
      %scan3A_39 = arith.constant 0 : i32
      scf.yield %scan3A_39 : i32
    }
    %scan3A_10 = arith.constant 632 : i32
    %barrier3A = arith.constant 0 : index
    tpu.barrier barrier_id(%barrier3A)
    %scan3A_11 = arith.constant 0 : i32
    %scan3A_12 = arith.constant 0 : i32
    %scan3A_13 = arith.constant 79 : i32
    %scan3A_14 = arith.addi %scan3A_12, %scan3A_13 : i32
    %scan3A_15 = arith.constant 1 : i32
    %scan3A_16 = scf.for %scan3A_23 = %scan3A_12 to %scan3A_14 step %scan3A_15 iter_args(%scan3A_24 = %scan3A_11) -> (i32)  : i32 {
      %mul3A_25 = arith.constant 128 : i32
      %mul3A_26 = arith.muli %scan3A_23, %mul3A_25 : i32
      %multiple_of3A = tpu.assume_multiple %mul3A_26, 128 : i32
      %dma_start3A = tpu.memref_slice %arg8[%multiple_of3A] : memref<10112xi32, #tpu.memory_space<vmem>> -> memref<128xi32, #tpu.memory_space<vmem>>
      %dma_start3A_27 = arith.constant 0 : i32
      %dma_start3A_28 = arith.constant 0 : i32
      %dma_start3A_29 = tpu.memref_slice %arg2[%dma_start3A_27, %dma_start3A_28] : memref<81920x128xf32, #tpu.memory_space<hbm>> -> memref<81920x128xf32, #tpu.memory_space<hbm>>
      tpu.enqueue_indirect_dma source(%dma_start3A_29 : memref<81920x128xf32, #tpu.memory_space<hbm>>) target(%arg11 : memref<128x128xf32, #tpu.memory_space<vmem>>) offsets(%dma_start3A : memref<128xi32, #tpu.memory_space<vmem>>) semaphore(%arg13 : memref<!tpu.dma_semaphore, #tpu.memory_space<semaphore_mem>>)
      %dma_wait3A = tpu.memref_slice %arg8[%multiple_of3A] : memref<10112xi32, #tpu.memory_space<vmem>> -> memref<128xi32, #tpu.memory_space<vmem>>
      %dma_wait3A_30 = arith.constant 0 : i32
      %dma_wait3A_31 = arith.constant 0 : i32
      %dma_wait3A_32 = tpu.memref_slice %arg2[%dma_wait3A_30, %dma_wait3A_31] : memref<81920x128xf32, #tpu.memory_space<hbm>> -> memref<81920x128xf32, #tpu.memory_space<hbm>>
      tpu.wait_indirect_dma semaphore(%arg13 : memref<!tpu.dma_semaphore, #tpu.memory_space<semaphore_mem>>) src(%dma_wait3A_32 : memref<81920x128xf32, #tpu.memory_space<hbm>>) dst(%arg11 : memref<128x128xf32, #tpu.memory_space<vmem>>)
      "tpu.region"() ({
        %run_scoped3A = tpu.sem_alloc : memref<!tpu.dma_semaphore, #tpu.memory_space<semaphore_mem>>
        %dma_start3A_34 = arith.constant 0 : i32
        %dma_start3A_35 = tpu.memref_slice %arg10[%scan3A_23, %dma_start3A_34] : memref<79x128xi32, #tpu.memory_space<vmem>> -> memref<1x128xi32, #tpu.memory_space<vmem>>
        %dma_start3A_36 = tpu.memref_squeeze %dma_start3A_35 : memref<1x128xi32, #tpu.memory_space<vmem>> -> memref<128xi32, #tpu.memory_space<vmem>>
        %dma_start3A_37 = arith.constant 0 : i32
        %dma_start3A_38 = arith.constant 0 : i32
        %dma_start3A_39 = tpu.memref_slice %arg12[%dma_start3A_37, %dma_start3A_38] : memref<10240x128xf32, #tpu.memory_space<vmem_shared>> -> memref<10240x128xf32, #tpu.memory_space<vmem_shared>>
        tpu.enqueue_indirect_dma source(%arg11 : memref<128x128xf32, #tpu.memory_space<vmem>>) target(%dma_start3A_39 : memref<10240x128xf32, #tpu.memory_space<vmem_shared>>) offsets(%dma_start3A_36 : memref<128xi32, #tpu.memory_space<vmem>>) semaphore(%run_scoped3A : memref<!tpu.dma_semaphore, #tpu.memory_space<semaphore_mem>>) {add = true}
        %dma_wait3A_40 = arith.constant 0 : i32
        %dma_wait3A_41 = tpu.memref_slice %arg10[%scan3A_23, %dma_wait3A_40] : memref<79x128xi32, #tpu.memory_space<vmem>> -> memref<1x128xi32, #tpu.memory_space<vmem>>
        %dma_wait3A_42 = tpu.memref_squeeze %dma_wait3A_41 : memref<1x128xi32, #tpu.memory_space<vmem>> -> memref<128xi32, #tpu.memory_space<vmem>>
        %dma_wait3A_43 = arith.constant 0 : i32
        %dma_wait3A_44 = arith.constant 0 : i32
        %dma_wait3A_45 = tpu.memref_slice %arg12[%dma_wait3A_43, %dma_wait3A_44] : memref<10240x128xf32, #tpu.memory_space<vmem_shared>> -> memref<10240x128xf32, #tpu.memory_space<vmem_shared>>
        tpu.wait_indirect_dma semaphore(%run_scoped3A : memref<!tpu.dma_semaphore, #tpu.memory_space<semaphore_mem>>) src(%arg11 : memref<128x128xf32, #tpu.memory_space<vmem>>) dst(%dma_wait3A_45 : memref<10240x128xf32, #tpu.memory_space<vmem_shared>>)
        tpu.yield
      }) : () -> ()
      %scan3A_33 = arith.constant 0 : i32
      scf.yield %scan3A_33 : i32
    }
    %scan3A_17 = arith.constant 79 : i32
    %barrier3A_18 = arith.constant 0 : index
    tpu.barrier barrier_id(%barrier3A_18)
    %mul3A_19 = arith.constant 640 : i32
    %mul3A_20 = arith.muli %arg1, %mul3A_19 : i32
    %mul3A_21 = arith.constant 640 : i32
    %mul3A_22 = arith.muli %arg1, %mul3A_21 : i32
    "tpu.region"() ({
      %run_scoped3A = tpu.sem_alloc : memref<!tpu.dma_semaphore, #tpu.memory_space<semaphore_mem>>
      %dma_start3A = arith.constant 0 : i32
      %dma_start3A_23 = tpu.memref_slice %arg7[%arg0, %mul3A_22, %dma_start3A] : memref<2x10240x128xf32, #tpu.memory_space<hbm>> -> memref<1x640x128xf32, #tpu.memory_space<hbm>>
      %dma_start3A_24 = tpu.memref_squeeze %dma_start3A_23 : memref<1x640x128xf32, #tpu.memory_space<hbm>> -> memref<640x128xf32, #tpu.memory_space<hbm>>
      %dma_start3A_25 = arith.constant 0 : i32
      %dma_start3A_26 = tpu.memref_slice %arg12[%mul3A_20, %dma_start3A_25] : memref<10240x128xf32, #tpu.memory_space<vmem_shared>> -> memref<640x128xf32, #tpu.memory_space<vmem_shared>>
      tpu.enqueue_dma source(%dma_start3A_26 : memref<640x128xf32, #tpu.memory_space<vmem_shared>>) target(%dma_start3A_24 : memref<640x128xf32, #tpu.memory_space<hbm>>) target_semaphore(%run_scoped3A : memref<!tpu.dma_semaphore, #tpu.memory_space<semaphore_mem>>)
      %dma_wait3A = arith.constant 0 : i32
      %dma_wait3A_27 = tpu.memref_slice %arg7[%arg0, %mul3A_22, %dma_wait3A] : memref<2x10240x128xf32, #tpu.memory_space<hbm>> -> memref<1x640x128xf32, #tpu.memory_space<hbm>>
      %dma_wait3A_28 = tpu.memref_squeeze %dma_wait3A_27 : memref<1x640x128xf32, #tpu.memory_space<hbm>> -> memref<640x128xf32, #tpu.memory_space<hbm>>
      %dma_wait3A_29 = arith.constant 0 : i32
      %dma_wait3A_30 = tpu.memref_slice %arg12[%mul3A_20, %dma_wait3A_29] : memref<10240x128xf32, #tpu.memory_space<vmem_shared>> -> memref<640x128xf32, #tpu.memory_space<vmem_shared>>
      tpu.wait_dma2 semaphore(%run_scoped3A : memref<!tpu.dma_semaphore, #tpu.memory_space<semaphore_mem>>) src(%dma_wait3A_30 : memref<640x128xf32, #tpu.memory_space<vmem_shared>>) dst(%dma_wait3A_28 : memref<640x128xf32, #tpu.memory_space<hbm>>)
      tpu.yield
    }) : () -> ()
    return
  }
}

module attributes {stable_mosaic.version = 14 : i64} {
  func.func @_z_body(%arg0: i32, %arg1: memref<8x4xf32, #tpu.memory_space<smem>>, %arg2: memref<512x128xf32, #tpu.memory_space<vmem>>, %arg3: memref<4x128x128xf32, #tpu.memory_space<vmem>>, %arg4: memref<8x512x128xf32, #tpu.memory_space<vmem>>, %arg5: memref<128x1024xf32, #tpu.memory_space<vmem>>) attributes {dimension_semantics = [#tpu.dimension_semantics<arbitrary>], iteration_bounds = array<i64: 20>, scalar_prefetch = 0 : i64, scratch_operands = 1 : i64, tpu.core_type = #tpu.core_type<tc>, window_params = [{transform_indices = @transform_0, window_bounds = array<i64: 8, 4>}, {transform_indices = @transform_1, window_bounds = array<i64: 512, 128>}, {pipeline_mode = #tpu.pipeline_mode<synchronous>, transform_indices = @transform_2, window_bounds = array<i64: 4, 128, 128>}, {transform_indices = @transform_3, window_bounds = array<i64: 8, 512, 128>}]} {
    %eq3A = arith.constant 0 : i32
    %eq3A_0 = arith.cmpi eq, %arg0, %eq3A : i32
    %convert_element_type3A = arith.extui %eq3A_0 : i1 to i32
    %cond3A = arith.constant 0 : i32
    %cond3A_1 = arith.cmpi ne, %convert_element_type3A, %cond3A : i32
    scf.if %cond3A_1 {
      %get3A_62 = arith.constant 0 : index
      %get3A_63 = arith.constant 0 : index
      %get3A_64 = arith.constant 0 : index
      %get3A_65 = vector.load %arg3[%get3A_62, %get3A_63, %get3A_64] : memref<4x128x128xf32, #tpu.memory_space<vmem>>, vector<1x128x128xf32>
      %get3A_66 = vector.shape_cast %get3A_65 : vector<1x128x128xf32> to vector<128x128xf32>
      %get3A_67 = arith.constant 0 : index
      %get3A_68 = arith.constant 0 : index
      %get3A_69 = memref.load %arg1[%get3A_67, %get3A_68] : memref<8x4xf32, #tpu.memory_space<smem>>
      %mul3A = vector.broadcast %get3A_69 : f32 to vector<128x128xf32>
      %mul3A_70 = arith.mulf %get3A_66, %mul3A : vector<128x128xf32>
      %get3A_71 = arith.constant 1 : index
      %get3A_72 = arith.constant 0 : index
      %get3A_73 = arith.constant 0 : index
      %get3A_74 = vector.load %arg3[%get3A_71, %get3A_72, %get3A_73] : memref<4x128x128xf32, #tpu.memory_space<vmem>>, vector<1x128x128xf32>
      %get3A_75 = vector.shape_cast %get3A_74 : vector<1x128x128xf32> to vector<128x128xf32>
      %get3A_76 = arith.constant 0 : index
      %get3A_77 = arith.constant 1 : index
      %get3A_78 = memref.load %arg1[%get3A_76, %get3A_77] : memref<8x4xf32, #tpu.memory_space<smem>>
      %mul3A_79 = vector.broadcast %get3A_78 : f32 to vector<128x128xf32>
      %mul3A_80 = arith.mulf %get3A_75, %mul3A_79 : vector<128x128xf32>
      %add3A = arith.addf %mul3A_70, %mul3A_80 : vector<128x128xf32>
      %get3A_81 = arith.constant 2 : index
      %get3A_82 = arith.constant 0 : index
      %get3A_83 = arith.constant 0 : index
      %get3A_84 = vector.load %arg3[%get3A_81, %get3A_82, %get3A_83] : memref<4x128x128xf32, #tpu.memory_space<vmem>>, vector<1x128x128xf32>
      %get3A_85 = vector.shape_cast %get3A_84 : vector<1x128x128xf32> to vector<128x128xf32>
      %get3A_86 = arith.constant 0 : index
      %get3A_87 = arith.constant 2 : index
      %get3A_88 = memref.load %arg1[%get3A_86, %get3A_87] : memref<8x4xf32, #tpu.memory_space<smem>>
      %mul3A_89 = vector.broadcast %get3A_88 : f32 to vector<128x128xf32>
      %mul3A_90 = arith.mulf %get3A_85, %mul3A_89 : vector<128x128xf32>
      %add3A_91 = arith.addf %add3A, %mul3A_90 : vector<128x128xf32>
      %get3A_92 = arith.constant 3 : index
      %get3A_93 = arith.constant 0 : index
      %get3A_94 = arith.constant 0 : index
      %get3A_95 = vector.load %arg3[%get3A_92, %get3A_93, %get3A_94] : memref<4x128x128xf32, #tpu.memory_space<vmem>>, vector<1x128x128xf32>
      %get3A_96 = vector.shape_cast %get3A_95 : vector<1x128x128xf32> to vector<128x128xf32>
      %get3A_97 = arith.constant 0 : index
      %get3A_98 = arith.constant 3 : index
      %get3A_99 = memref.load %arg1[%get3A_97, %get3A_98] : memref<8x4xf32, #tpu.memory_space<smem>>
      %mul3A_100 = vector.broadcast %get3A_99 : f32 to vector<128x128xf32>
      %mul3A_101 = arith.mulf %get3A_96, %mul3A_100 : vector<128x128xf32>
      %add3A_102 = arith.addf %add3A_91, %mul3A_101 : vector<128x128xf32>
      %swap3A_103 = arith.constant 0 : index
      %swap3A_104 = arith.constant 0 : index
      %swap3A_105 = vector.load %arg5[%swap3A_103, %swap3A_104] : memref<128x1024xf32, #tpu.memory_space<vmem>>, vector<128x128xf32>
      tpu.vector_store %arg5[%swap3A_103, %swap3A_104], %add3A_102 {strides = array<i32>} : memref<128x1024xf32, #tpu.memory_space<vmem>>, vector<128x128xf32>,
      %get3A_106 = arith.constant 0 : index
      %get3A_107 = arith.constant 0 : index
      %get3A_108 = arith.constant 0 : index
      %get3A_109 = vector.load %arg3[%get3A_106, %get3A_107, %get3A_108] : memref<4x128x128xf32, #tpu.memory_space<vmem>>, vector<1x128x128xf32>
      %get3A_110 = vector.shape_cast %get3A_109 : vector<1x128x128xf32> to vector<128x128xf32>
      %get3A_111 = arith.constant 1 : index
      %get3A_112 = arith.constant 0 : index
      %get3A_113 = memref.load %arg1[%get3A_111, %get3A_112] : memref<8x4xf32, #tpu.memory_space<smem>>
      %mul3A_114 = vector.broadcast %get3A_113 : f32 to vector<128x128xf32>
      %mul3A_115 = arith.mulf %get3A_110, %mul3A_114 : vector<128x128xf32>
      %get3A_116 = arith.constant 1 : index
      %get3A_117 = arith.constant 0 : index
      %get3A_118 = arith.constant 0 : index
      %get3A_119 = vector.load %arg3[%get3A_116, %get3A_117, %get3A_118] : memref<4x128x128xf32, #tpu.memory_space<vmem>>, vector<1x128x128xf32>
      %get3A_120 = vector.shape_cast %get3A_119 : vector<1x128x128xf32> to vector<128x128xf32>
      %get3A_121 = arith.constant 1 : index
      %get3A_122 = arith.constant 1 : index
      %get3A_123 = memref.load %arg1[%get3A_121, %get3A_122] : memref<8x4xf32, #tpu.memory_space<smem>>
      %mul3A_124 = vector.broadcast %get3A_123 : f32 to vector<128x128xf32>
      %mul3A_125 = arith.mulf %get3A_120, %mul3A_124 : vector<128x128xf32>
      %add3A_126 = arith.addf %mul3A_115, %mul3A_125 : vector<128x128xf32>
      %get3A_127 = arith.constant 2 : index
      %get3A_128 = arith.constant 0 : index
      %get3A_129 = arith.constant 0 : index
      %get3A_130 = vector.load %arg3[%get3A_127, %get3A_128, %get3A_129] : memref<4x128x128xf32, #tpu.memory_space<vmem>>, vector<1x128x128xf32>
      %get3A_131 = vector.shape_cast %get3A_130 : vector<1x128x128xf32> to vector<128x128xf32>
      %get3A_132 = arith.constant 1 : index
      %get3A_133 = arith.constant 2 : index
      %get3A_134 = memref.load %arg1[%get3A_132, %get3A_133] : memref<8x4xf32, #tpu.memory_space<smem>>
      %mul3A_135 = vector.broadcast %get3A_134 : f32 to vector<128x128xf32>
      %mul3A_136 = arith.mulf %get3A_131, %mul3A_135 : vector<128x128xf32>
      %add3A_137 = arith.addf %add3A_126, %mul3A_136 : vector<128x128xf32>
      %get3A_138 = arith.constant 3 : index
      %get3A_139 = arith.constant 0 : index
      %get3A_140 = arith.constant 0 : index
      %get3A_141 = vector.load %arg3[%get3A_138, %get3A_139, %get3A_140] : memref<4x128x128xf32, #tpu.memory_space<vmem>>, vector<1x128x128xf32>
      %get3A_142 = vector.shape_cast %get3A_141 : vector<1x128x128xf32> to vector<128x128xf32>
      %get3A_143 = arith.constant 1 : index
      %get3A_144 = arith.constant 3 : index
      %get3A_145 = memref.load %arg1[%get3A_143, %get3A_144] : memref<8x4xf32, #tpu.memory_space<smem>>
      %mul3A_146 = vector.broadcast %get3A_145 : f32 to vector<128x128xf32>
      %mul3A_147 = arith.mulf %get3A_142, %mul3A_146 : vector<128x128xf32>
      %add3A_148 = arith.addf %add3A_137, %mul3A_147 : vector<128x128xf32>
      %swap3A_149 = arith.constant 0 : index
      %swap3A_150 = arith.constant 128 : index
      %swap3A_151 = vector.load %arg5[%swap3A_149, %swap3A_150] : memref<128x1024xf32, #tpu.memory_space<vmem>>, vector<128x128xf32>
      tpu.vector_store %arg5[%swap3A_149, %swap3A_150], %add3A_148 {strides = array<i32>} : memref<128x1024xf32, #tpu.memory_space<vmem>>, vector<128x128xf32>,
      %get3A_152 = arith.constant 0 : index
      %get3A_153 = arith.constant 0 : index
      %get3A_154 = arith.constant 0 : index
      %get3A_155 = vector.load %arg3[%get3A_152, %get3A_153, %get3A_154] : memref<4x128x128xf32, #tpu.memory_space<vmem>>, vector<1x128x128xf32>
      %get3A_156 = vector.shape_cast %get3A_155 : vector<1x128x128xf32> to vector<128x128xf32>
      %get3A_157 = arith.constant 2 : index
      %get3A_158 = arith.constant 0 : index
      %get3A_159 = memref.load %arg1[%get3A_157, %get3A_158] : memref<8x4xf32, #tpu.memory_space<smem>>
      %mul3A_160 = vector.broadcast %get3A_159 : f32 to vector<128x128xf32>
      %mul3A_161 = arith.mulf %get3A_156, %mul3A_160 : vector<128x128xf32>
      %get3A_162 = arith.constant 1 : index
      %get3A_163 = arith.constant 0 : index
      %get3A_164 = arith.constant 0 : index
      %get3A_165 = vector.load %arg3[%get3A_162, %get3A_163, %get3A_164] : memref<4x128x128xf32, #tpu.memory_space<vmem>>, vector<1x128x128xf32>
      %get3A_166 = vector.shape_cast %get3A_165 : vector<1x128x128xf32> to vector<128x128xf32>
      %get3A_167 = arith.constant 2 : index
      %get3A_168 = arith.constant 1 : index
      %get3A_169 = memref.load %arg1[%get3A_167, %get3A_168] : memref<8x4xf32, #tpu.memory_space<smem>>
      %mul3A_170 = vector.broadcast %get3A_169 : f32 to vector<128x128xf32>
      %mul3A_171 = arith.mulf %get3A_166, %mul3A_170 : vector<128x128xf32>
      %add3A_172 = arith.addf %mul3A_161, %mul3A_171 : vector<128x128xf32>
      %get3A_173 = arith.constant 2 : index
      %get3A_174 = arith.constant 0 : index
      %get3A_175 = arith.constant 0 : index
      %get3A_176 = vector.load %arg3[%get3A_173, %get3A_174, %get3A_175] : memref<4x128x128xf32, #tpu.memory_space<vmem>>, vector<1x128x128xf32>
      %get3A_177 = vector.shape_cast %get3A_176 : vector<1x128x128xf32> to vector<128x128xf32>
      %get3A_178 = arith.constant 2 : index
      %get3A_179 = arith.constant 2 : index
      %get3A_180 = memref.load %arg1[%get3A_178, %get3A_179] : memref<8x4xf32, #tpu.memory_space<smem>>
      %mul3A_181 = vector.broadcast %get3A_180 : f32 to vector<128x128xf32>
      %mul3A_182 = arith.mulf %get3A_177, %mul3A_181 : vector<128x128xf32>
      %add3A_183 = arith.addf %add3A_172, %mul3A_182 : vector<128x128xf32>
      %get3A_184 = arith.constant 3 : index
      %get3A_185 = arith.constant 0 : index
      %get3A_186 = arith.constant 0 : index
      %get3A_187 = vector.load %arg3[%get3A_184, %get3A_185, %get3A_186] : memref<4x128x128xf32, #tpu.memory_space<vmem>>, vector<1x128x128xf32>
      %get3A_188 = vector.shape_cast %get3A_187 : vector<1x128x128xf32> to vector<128x128xf32>
      %get3A_189 = arith.constant 2 : index
      %get3A_190 = arith.constant 3 : index
      %get3A_191 = memref.load %arg1[%get3A_189, %get3A_190] : memref<8x4xf32, #tpu.memory_space<smem>>
      %mul3A_192 = vector.broadcast %get3A_191 : f32 to vector<128x128xf32>
      %mul3A_193 = arith.mulf %get3A_188, %mul3A_192 : vector<128x128xf32>
      %add3A_194 = arith.addf %add3A_183, %mul3A_193 : vector<128x128xf32>
      %swap3A_195 = arith.constant 0 : index
      %swap3A_196 = arith.constant 256 : index
      %swap3A_197 = vector.load %arg5[%swap3A_195, %swap3A_196] : memref<128x1024xf32, #tpu.memory_space<vmem>>, vector<128x128xf32>
      tpu.vector_store %arg5[%swap3A_195, %swap3A_196], %add3A_194 {strides = array<i32>} : memref<128x1024xf32, #tpu.memory_space<vmem>>, vector<128x128xf32>,
      %get3A_198 = arith.constant 0 : index
      %get3A_199 = arith.constant 0 : index
      %get3A_200 = arith.constant 0 : index
      %get3A_201 = vector.load %arg3[%get3A_198, %get3A_199, %get3A_200] : memref<4x128x128xf32, #tpu.memory_space<vmem>>, vector<1x128x128xf32>
      %get3A_202 = vector.shape_cast %get3A_201 : vector<1x128x128xf32> to vector<128x128xf32>
      %get3A_203 = arith.constant 3 : index
      %get3A_204 = arith.constant 0 : index
      %get3A_205 = memref.load %arg1[%get3A_203, %get3A_204] : memref<8x4xf32, #tpu.memory_space<smem>>
      %mul3A_206 = vector.broadcast %get3A_205 : f32 to vector<128x128xf32>
      %mul3A_207 = arith.mulf %get3A_202, %mul3A_206 : vector<128x128xf32>
      %get3A_208 = arith.constant 1 : index
      %get3A_209 = arith.constant 0 : index
      %get3A_210 = arith.constant 0 : index
      %get3A_211 = vector.load %arg3[%get3A_208, %get3A_209, %get3A_210] : memref<4x128x128xf32, #tpu.memory_space<vmem>>, vector<1x128x128xf32>
      %get3A_212 = vector.shape_cast %get3A_211 : vector<1x128x128xf32> to vector<128x128xf32>
      %get3A_213 = arith.constant 3 : index
      %get3A_214 = arith.constant 1 : index
      %get3A_215 = memref.load %arg1[%get3A_213, %get3A_214] : memref<8x4xf32, #tpu.memory_space<smem>>
      %mul3A_216 = vector.broadcast %get3A_215 : f32 to vector<128x128xf32>
      %mul3A_217 = arith.mulf %get3A_212, %mul3A_216 : vector<128x128xf32>
      %add3A_218 = arith.addf %mul3A_207, %mul3A_217 : vector<128x128xf32>
      %get3A_219 = arith.constant 2 : index
      %get3A_220 = arith.constant 0 : index
      %get3A_221 = arith.constant 0 : index
      %get3A_222 = vector.load %arg3[%get3A_219, %get3A_220, %get3A_221] : memref<4x128x128xf32, #tpu.memory_space<vmem>>, vector<1x128x128xf32>
      %get3A_223 = vector.shape_cast %get3A_222 : vector<1x128x128xf32> to vector<128x128xf32>
      %get3A_224 = arith.constant 3 : index
      %get3A_225 = arith.constant 2 : index
      %get3A_226 = memref.load %arg1[%get3A_224, %get3A_225] : memref<8x4xf32, #tpu.memory_space<smem>>
      %mul3A_227 = vector.broadcast %get3A_226 : f32 to vector<128x128xf32>
      %mul3A_228 = arith.mulf %get3A_223, %mul3A_227 : vector<128x128xf32>
      %add3A_229 = arith.addf %add3A_218, %mul3A_228 : vector<128x128xf32>
      %get3A_230 = arith.constant 3 : index
      %get3A_231 = arith.constant 0 : index
      %get3A_232 = arith.constant 0 : index
      %get3A_233 = vector.load %arg3[%get3A_230, %get3A_231, %get3A_232] : memref<4x128x128xf32, #tpu.memory_space<vmem>>, vector<1x128x128xf32>
      %get3A_234 = vector.shape_cast %get3A_233 : vector<1x128x128xf32> to vector<128x128xf32>
      %get3A_235 = arith.constant 3 : index
      %get3A_236 = arith.constant 3 : index
      %get3A_237 = memref.load %arg1[%get3A_235, %get3A_236] : memref<8x4xf32, #tpu.memory_space<smem>>
      %mul3A_238 = vector.broadcast %get3A_237 : f32 to vector<128x128xf32>
      %mul3A_239 = arith.mulf %get3A_234, %mul3A_238 : vector<128x128xf32>
      %add3A_240 = arith.addf %add3A_229, %mul3A_239 : vector<128x128xf32>
      %swap3A_241 = arith.constant 0 : index
      %swap3A_242 = arith.constant 384 : index
      %swap3A_243 = vector.load %arg5[%swap3A_241, %swap3A_242] : memref<128x1024xf32, #tpu.memory_space<vmem>>, vector<128x128xf32>
      tpu.vector_store %arg5[%swap3A_241, %swap3A_242], %add3A_240 {strides = array<i32>} : memref<128x1024xf32, #tpu.memory_space<vmem>>, vector<128x128xf32>,
      %get3A_244 = arith.constant 0 : index
      %get3A_245 = arith.constant 0 : index
      %get3A_246 = arith.constant 0 : index
      %get3A_247 = vector.load %arg3[%get3A_244, %get3A_245, %get3A_246] : memref<4x128x128xf32, #tpu.memory_space<vmem>>, vector<1x128x128xf32>
      %get3A_248 = vector.shape_cast %get3A_247 : vector<1x128x128xf32> to vector<128x128xf32>
      %get3A_249 = arith.constant 4 : index
      %get3A_250 = arith.constant 0 : index
      %get3A_251 = memref.load %arg1[%get3A_249, %get3A_250] : memref<8x4xf32, #tpu.memory_space<smem>>
      %mul3A_252 = vector.broadcast %get3A_251 : f32 to vector<128x128xf32>
      %mul3A_253 = arith.mulf %get3A_248, %mul3A_252 : vector<128x128xf32>
      %get3A_254 = arith.constant 1 : index
      %get3A_255 = arith.constant 0 : index
      %get3A_256 = arith.constant 0 : index
      %get3A_257 = vector.load %arg3[%get3A_254, %get3A_255, %get3A_256] : memref<4x128x128xf32, #tpu.memory_space<vmem>>, vector<1x128x128xf32>
      %get3A_258 = vector.shape_cast %get3A_257 : vector<1x128x128xf32> to vector<128x128xf32>
      %get3A_259 = arith.constant 4 : index
      %get3A_260 = arith.constant 1 : index
      %get3A_261 = memref.load %arg1[%get3A_259, %get3A_260] : memref<8x4xf32, #tpu.memory_space<smem>>
      %mul3A_262 = vector.broadcast %get3A_261 : f32 to vector<128x128xf32>
      %mul3A_263 = arith.mulf %get3A_258, %mul3A_262 : vector<128x128xf32>
      %add3A_264 = arith.addf %mul3A_253, %mul3A_263 : vector<128x128xf32>
      %get3A_265 = arith.constant 2 : index
      %get3A_266 = arith.constant 0 : index
      %get3A_267 = arith.constant 0 : index
      %get3A_268 = vector.load %arg3[%get3A_265, %get3A_266, %get3A_267] : memref<4x128x128xf32, #tpu.memory_space<vmem>>, vector<1x128x128xf32>
      %get3A_269 = vector.shape_cast %get3A_268 : vector<1x128x128xf32> to vector<128x128xf32>
      %get3A_270 = arith.constant 4 : index
      %get3A_271 = arith.constant 2 : index
      %get3A_272 = memref.load %arg1[%get3A_270, %get3A_271] : memref<8x4xf32, #tpu.memory_space<smem>>
      %mul3A_273 = vector.broadcast %get3A_272 : f32 to vector<128x128xf32>
      %mul3A_274 = arith.mulf %get3A_269, %mul3A_273 : vector<128x128xf32>
      %add3A_275 = arith.addf %add3A_264, %mul3A_274 : vector<128x128xf32>
      %get3A_276 = arith.constant 3 : index
      %get3A_277 = arith.constant 0 : index
      %get3A_278 = arith.constant 0 : index
      %get3A_279 = vector.load %arg3[%get3A_276, %get3A_277, %get3A_278] : memref<4x128x128xf32, #tpu.memory_space<vmem>>, vector<1x128x128xf32>
      %get3A_280 = vector.shape_cast %get3A_279 : vector<1x128x128xf32> to vector<128x128xf32>
      %get3A_281 = arith.constant 4 : index
      %get3A_282 = arith.constant 3 : index
      %get3A_283 = memref.load %arg1[%get3A_281, %get3A_282] : memref<8x4xf32, #tpu.memory_space<smem>>
      %mul3A_284 = vector.broadcast %get3A_283 : f32 to vector<128x128xf32>
      %mul3A_285 = arith.mulf %get3A_280, %mul3A_284 : vector<128x128xf32>
      %add3A_286 = arith.addf %add3A_275, %mul3A_285 : vector<128x128xf32>
      %swap3A_287 = arith.constant 0 : index
      %swap3A_288 = arith.constant 512 : index
      %swap3A_289 = vector.load %arg5[%swap3A_287, %swap3A_288] : memref<128x1024xf32, #tpu.memory_space<vmem>>, vector<128x128xf32>
      tpu.vector_store %arg5[%swap3A_287, %swap3A_288], %add3A_286 {strides = array<i32>} : memref<128x1024xf32, #tpu.memory_space<vmem>>, vector<128x128xf32>,
      %get3A_290 = arith.constant 0 : index
      %get3A_291 = arith.constant 0 : index
      %get3A_292 = arith.constant 0 : index
      %get3A_293 = vector.load %arg3[%get3A_290, %get3A_291, %get3A_292] : memref<4x128x128xf32, #tpu.memory_space<vmem>>, vector<1x128x128xf32>
      %get3A_294 = vector.shape_cast %get3A_293 : vector<1x128x128xf32> to vector<128x128xf32>
      %get3A_295 = arith.constant 5 : index
      %get3A_296 = arith.constant 0 : index
      %get3A_297 = memref.load %arg1[%get3A_295, %get3A_296] : memref<8x4xf32, #tpu.memory_space<smem>>
      %mul3A_298 = vector.broadcast %get3A_297 : f32 to vector<128x128xf32>
      %mul3A_299 = arith.mulf %get3A_294, %mul3A_298 : vector<128x128xf32>
      %get3A_300 = arith.constant 1 : index
      %get3A_301 = arith.constant 0 : index
      %get3A_302 = arith.constant 0 : index
      %get3A_303 = vector.load %arg3[%get3A_300, %get3A_301, %get3A_302] : memref<4x128x128xf32, #tpu.memory_space<vmem>>, vector<1x128x128xf32>
      %get3A_304 = vector.shape_cast %get3A_303 : vector<1x128x128xf32> to vector<128x128xf32>
      %get3A_305 = arith.constant 5 : index
      %get3A_306 = arith.constant 1 : index
      %get3A_307 = memref.load %arg1[%get3A_305, %get3A_306] : memref<8x4xf32, #tpu.memory_space<smem>>
      %mul3A_308 = vector.broadcast %get3A_307 : f32 to vector<128x128xf32>
      %mul3A_309 = arith.mulf %get3A_304, %mul3A_308 : vector<128x128xf32>
      %add3A_310 = arith.addf %mul3A_299, %mul3A_309 : vector<128x128xf32>
      %get3A_311 = arith.constant 2 : index
      %get3A_312 = arith.constant 0 : index
      %get3A_313 = arith.constant 0 : index
      %get3A_314 = vector.load %arg3[%get3A_311, %get3A_312, %get3A_313] : memref<4x128x128xf32, #tpu.memory_space<vmem>>, vector<1x128x128xf32>
      %get3A_315 = vector.shape_cast %get3A_314 : vector<1x128x128xf32> to vector<128x128xf32>
      %get3A_316 = arith.constant 5 : index
      %get3A_317 = arith.constant 2 : index
      %get3A_318 = memref.load %arg1[%get3A_316, %get3A_317] : memref<8x4xf32, #tpu.memory_space<smem>>
      %mul3A_319 = vector.broadcast %get3A_318 : f32 to vector<128x128xf32>
      %mul3A_320 = arith.mulf %get3A_315, %mul3A_319 : vector<128x128xf32>
      %add3A_321 = arith.addf %add3A_310, %mul3A_320 : vector<128x128xf32>
      %get3A_322 = arith.constant 3 : index
      %get3A_323 = arith.constant 0 : index
      %get3A_324 = arith.constant 0 : index
      %get3A_325 = vector.load %arg3[%get3A_322, %get3A_323, %get3A_324] : memref<4x128x128xf32, #tpu.memory_space<vmem>>, vector<1x128x128xf32>
      %get3A_326 = vector.shape_cast %get3A_325 : vector<1x128x128xf32> to vector<128x128xf32>
      %get3A_327 = arith.constant 5 : index
      %get3A_328 = arith.constant 3 : index
      %get3A_329 = memref.load %arg1[%get3A_327, %get3A_328] : memref<8x4xf32, #tpu.memory_space<smem>>
      %mul3A_330 = vector.broadcast %get3A_329 : f32 to vector<128x128xf32>
      %mul3A_331 = arith.mulf %get3A_326, %mul3A_330 : vector<128x128xf32>
      %add3A_332 = arith.addf %add3A_321, %mul3A_331 : vector<128x128xf32>
      %swap3A_333 = arith.constant 0 : index
      %swap3A_334 = arith.constant 640 : index
      %swap3A_335 = vector.load %arg5[%swap3A_333, %swap3A_334] : memref<128x1024xf32, #tpu.memory_space<vmem>>, vector<128x128xf32>
      tpu.vector_store %arg5[%swap3A_333, %swap3A_334], %add3A_332 {strides = array<i32>} : memref<128x1024xf32, #tpu.memory_space<vmem>>, vector<128x128xf32>,
      %get3A_336 = arith.constant 0 : index
      %get3A_337 = arith.constant 0 : index
      %get3A_338 = arith.constant 0 : index
      %get3A_339 = vector.load %arg3[%get3A_336, %get3A_337, %get3A_338] : memref<4x128x128xf32, #tpu.memory_space<vmem>>, vector<1x128x128xf32>
      %get3A_340 = vector.shape_cast %get3A_339 : vector<1x128x128xf32> to vector<128x128xf32>
      %get3A_341 = arith.constant 6 : index
      %get3A_342 = arith.constant 0 : index
      %get3A_343 = memref.load %arg1[%get3A_341, %get3A_342] : memref<8x4xf32, #tpu.memory_space<smem>>
      %mul3A_344 = vector.broadcast %get3A_343 : f32 to vector<128x128xf32>
      %mul3A_345 = arith.mulf %get3A_340, %mul3A_344 : vector<128x128xf32>
      %get3A_346 = arith.constant 1 : index
      %get3A_347 = arith.constant 0 : index
      %get3A_348 = arith.constant 0 : index
      %get3A_349 = vector.load %arg3[%get3A_346, %get3A_347, %get3A_348] : memref<4x128x128xf32, #tpu.memory_space<vmem>>, vector<1x128x128xf32>
      %get3A_350 = vector.shape_cast %get3A_349 : vector<1x128x128xf32> to vector<128x128xf32>
      %get3A_351 = arith.constant 6 : index
      %get3A_352 = arith.constant 1 : index
      %get3A_353 = memref.load %arg1[%get3A_351, %get3A_352] : memref<8x4xf32, #tpu.memory_space<smem>>
      %mul3A_354 = vector.broadcast %get3A_353 : f32 to vector<128x128xf32>
      %mul3A_355 = arith.mulf %get3A_350, %mul3A_354 : vector<128x128xf32>
      %add3A_356 = arith.addf %mul3A_345, %mul3A_355 : vector<128x128xf32>
      %get3A_357 = arith.constant 2 : index
      %get3A_358 = arith.constant 0 : index
      %get3A_359 = arith.constant 0 : index
      %get3A_360 = vector.load %arg3[%get3A_357, %get3A_358, %get3A_359] : memref<4x128x128xf32, #tpu.memory_space<vmem>>, vector<1x128x128xf32>
      %get3A_361 = vector.shape_cast %get3A_360 : vector<1x128x128xf32> to vector<128x128xf32>
      %get3A_362 = arith.constant 6 : index
      %get3A_363 = arith.constant 2 : index
      %get3A_364 = memref.load %arg1[%get3A_362, %get3A_363] : memref<8x4xf32, #tpu.memory_space<smem>>
      %mul3A_365 = vector.broadcast %get3A_364 : f32 to vector<128x128xf32>
      %mul3A_366 = arith.mulf %get3A_361, %mul3A_365 : vector<128x128xf32>
      %add3A_367 = arith.addf %add3A_356, %mul3A_366 : vector<128x128xf32>
      %get3A_368 = arith.constant 3 : index
      %get3A_369 = arith.constant 0 : index
      %get3A_370 = arith.constant 0 : index
      %get3A_371 = vector.load %arg3[%get3A_368, %get3A_369, %get3A_370] : memref<4x128x128xf32, #tpu.memory_space<vmem>>, vector<1x128x128xf32>
      %get3A_372 = vector.shape_cast %get3A_371 : vector<1x128x128xf32> to vector<128x128xf32>
      %get3A_373 = arith.constant 6 : index
      %get3A_374 = arith.constant 3 : index
      %get3A_375 = memref.load %arg1[%get3A_373, %get3A_374] : memref<8x4xf32, #tpu.memory_space<smem>>
      %mul3A_376 = vector.broadcast %get3A_375 : f32 to vector<128x128xf32>
      %mul3A_377 = arith.mulf %get3A_372, %mul3A_376 : vector<128x128xf32>
      %add3A_378 = arith.addf %add3A_367, %mul3A_377 : vector<128x128xf32>
      %swap3A_379 = arith.constant 0 : index
      %swap3A_380 = arith.constant 768 : index
      %swap3A_381 = vector.load %arg5[%swap3A_379, %swap3A_380] : memref<128x1024xf32, #tpu.memory_space<vmem>>, vector<128x128xf32>
      tpu.vector_store %arg5[%swap3A_379, %swap3A_380], %add3A_378 {strides = array<i32>} : memref<128x1024xf32, #tpu.memory_space<vmem>>, vector<128x128xf32>,
      %get3A_382 = arith.constant 0 : index
      %get3A_383 = arith.constant 0 : index
      %get3A_384 = arith.constant 0 : index
      %get3A_385 = vector.load %arg3[%get3A_382, %get3A_383, %get3A_384] : memref<4x128x128xf32, #tpu.memory_space<vmem>>, vector<1x128x128xf32>
      %get3A_386 = vector.shape_cast %get3A_385 : vector<1x128x128xf32> to vector<128x128xf32>
      %get3A_387 = arith.constant 7 : index
      %get3A_388 = arith.constant 0 : index
      %get3A_389 = memref.load %arg1[%get3A_387, %get3A_388] : memref<8x4xf32, #tpu.memory_space<smem>>
      %mul3A_390 = vector.broadcast %get3A_389 : f32 to vector<128x128xf32>
      %mul3A_391 = arith.mulf %get3A_386, %mul3A_390 : vector<128x128xf32>
      %get3A_392 = arith.constant 1 : index
      %get3A_393 = arith.constant 0 : index
      %get3A_394 = arith.constant 0 : index
      %get3A_395 = vector.load %arg3[%get3A_392, %get3A_393, %get3A_394] : memref<4x128x128xf32, #tpu.memory_space<vmem>>, vector<1x128x128xf32>
      %get3A_396 = vector.shape_cast %get3A_395 : vector<1x128x128xf32> to vector<128x128xf32>
      %get3A_397 = arith.constant 7 : index
      %get3A_398 = arith.constant 1 : index
      %get3A_399 = memref.load %arg1[%get3A_397, %get3A_398] : memref<8x4xf32, #tpu.memory_space<smem>>
      %mul3A_400 = vector.broadcast %get3A_399 : f32 to vector<128x128xf32>
      %mul3A_401 = arith.mulf %get3A_396, %mul3A_400 : vector<128x128xf32>
      %add3A_402 = arith.addf %mul3A_391, %mul3A_401 : vector<128x128xf32>
      %get3A_403 = arith.constant 2 : index
      %get3A_404 = arith.constant 0 : index
      %get3A_405 = arith.constant 0 : index
      %get3A_406 = vector.load %arg3[%get3A_403, %get3A_404, %get3A_405] : memref<4x128x128xf32, #tpu.memory_space<vmem>>, vector<1x128x128xf32>
      %get3A_407 = vector.shape_cast %get3A_406 : vector<1x128x128xf32> to vector<128x128xf32>
      %get3A_408 = arith.constant 7 : index
      %get3A_409 = arith.constant 2 : index
      %get3A_410 = memref.load %arg1[%get3A_408, %get3A_409] : memref<8x4xf32, #tpu.memory_space<smem>>
      %mul3A_411 = vector.broadcast %get3A_410 : f32 to vector<128x128xf32>
      %mul3A_412 = arith.mulf %get3A_407, %mul3A_411 : vector<128x128xf32>
      %add3A_413 = arith.addf %add3A_402, %mul3A_412 : vector<128x128xf32>
      %get3A_414 = arith.constant 3 : index
      %get3A_415 = arith.constant 0 : index
      %get3A_416 = arith.constant 0 : index
      %get3A_417 = vector.load %arg3[%get3A_414, %get3A_415, %get3A_416] : memref<4x128x128xf32, #tpu.memory_space<vmem>>, vector<1x128x128xf32>
      %get3A_418 = vector.shape_cast %get3A_417 : vector<1x128x128xf32> to vector<128x128xf32>
      %get3A_419 = arith.constant 7 : index
      %get3A_420 = arith.constant 3 : index
      %get3A_421 = memref.load %arg1[%get3A_419, %get3A_420] : memref<8x4xf32, #tpu.memory_space<smem>>
      %mul3A_422 = vector.broadcast %get3A_421 : f32 to vector<128x128xf32>
      %mul3A_423 = arith.mulf %get3A_418, %mul3A_422 : vector<128x128xf32>
      %add3A_424 = arith.addf %add3A_413, %mul3A_423 : vector<128x128xf32>
      %swap3A_425 = arith.constant 0 : index
      %swap3A_426 = arith.constant 896 : index
      %swap3A_427 = vector.load %arg5[%swap3A_425, %swap3A_426] : memref<128x1024xf32, #tpu.memory_space<vmem>>, vector<128x128xf32>
      tpu.vector_store %arg5[%swap3A_425, %swap3A_426], %add3A_424 {strides = array<i32>} : memref<128x1024xf32, #tpu.memory_space<vmem>>, vector<128x128xf32>,
    } else {
    }
    %get3A = arith.constant 0 : index
    %get3A_2 = arith.constant 0 : index
    %get3A_3 = vector.load %arg2[%get3A, %get3A_2] : memref<512x128xf32, #tpu.memory_space<vmem>>, vector<512x128xf32>
    %get3A_4 = arith.constant 0 : index
    %get3A_5 = arith.constant 0 : index
    %get3A_6 = vector.load %arg5[%get3A_4, %get3A_5] : memref<128x1024xf32, #tpu.memory_space<vmem>>, vector<128x1024xf32>
    %dot_general3A = arith.constant dense<0.000000e+00> : vector<512x1024xf32>
    %dot_general3A_7 = tpu.matmul %get3A_3, %get3A_6, %dot_general3A {dimension_numbers = #tpu.dot_dimension_numbers<[1], [0], [0], [1], [0, 0, 1, 1], [], []>, transpose_lhs_hint = false} : vector<512x128xf32>, vector<128x1024xf32>, vector<512x1024xf32> -> vector<512x1024xf32>
    %slice3A = vector.extract_strided_slice %dot_general3A_7 {offsets = [0, 0], sizes = [512, 128], strides = [1, 1]} : vector<512x1024xf32> to vector<512x128xf32>
    %swap3A = arith.constant 0 : index
    %swap3A_8 = arith.constant 0 : index
    %swap3A_9 = arith.constant 0 : index
    %swap3A_10 = vector.load %arg4[%swap3A, %swap3A_8, %swap3A_9] : memref<8x512x128xf32, #tpu.memory_space<vmem>>, vector<1x512x128xf32>
    %swap3A_11 = vector.shape_cast %swap3A_10 : vector<1x512x128xf32> to vector<512x128xf32>
    %swap3A_12 = vector.shape_cast %slice3A : vector<512x128xf32> to vector<1x512x128xf32>
    tpu.vector_store %arg4[%swap3A, %swap3A_8, %swap3A_9], %swap3A_12 {strides = array<i32>} : memref<8x512x128xf32, #tpu.memory_space<vmem>>, vector<1x512x128xf32>,
    %slice3A_13 = vector.extract_strided_slice %dot_general3A_7 {offsets = [0, 128], sizes = [512, 128], strides = [1, 1]} : vector<512x1024xf32> to vector<512x128xf32>
    %swap3A_14 = arith.constant 1 : index
    %swap3A_15 = arith.constant 0 : index
    %swap3A_16 = arith.constant 0 : index
    %swap3A_17 = vector.load %arg4[%swap3A_14, %swap3A_15, %swap3A_16] : memref<8x512x128xf32, #tpu.memory_space<vmem>>, vector<1x512x128xf32>
    %swap3A_18 = vector.shape_cast %swap3A_17 : vector<1x512x128xf32> to vector<512x128xf32>
    %swap3A_19 = vector.shape_cast %slice3A_13 : vector<512x128xf32> to vector<1x512x128xf32>
    tpu.vector_store %arg4[%swap3A_14, %swap3A_15, %swap3A_16], %swap3A_19 {strides = array<i32>} : memref<8x512x128xf32, #tpu.memory_space<vmem>>, vector<1x512x128xf32>,
    %slice3A_20 = vector.extract_strided_slice %dot_general3A_7 {offsets = [0, 256], sizes = [512, 128], strides = [1, 1]} : vector<512x1024xf32> to vector<512x128xf32>
    %swap3A_21 = arith.constant 2 : index
    %swap3A_22 = arith.constant 0 : index
    %swap3A_23 = arith.constant 0 : index
    %swap3A_24 = vector.load %arg4[%swap3A_21, %swap3A_22, %swap3A_23] : memref<8x512x128xf32, #tpu.memory_space<vmem>>, vector<1x512x128xf32>
    %swap3A_25 = vector.shape_cast %swap3A_24 : vector<1x512x128xf32> to vector<512x128xf32>
    %swap3A_26 = vector.shape_cast %slice3A_20 : vector<512x128xf32> to vector<1x512x128xf32>
    tpu.vector_store %arg4[%swap3A_21, %swap3A_22, %swap3A_23], %swap3A_26 {strides = array<i32>} : memref<8x512x128xf32, #tpu.memory_space<vmem>>, vector<1x512x128xf32>,
    %slice3A_27 = vector.extract_strided_slice %dot_general3A_7 {offsets = [0, 384], sizes = [512, 128], strides = [1, 1]} : vector<512x1024xf32> to vector<512x128xf32>
    %swap3A_28 = arith.constant 3 : index
    %swap3A_29 = arith.constant 0 : index
    %swap3A_30 = arith.constant 0 : index
    %swap3A_31 = vector.load %arg4[%swap3A_28, %swap3A_29, %swap3A_30] : memref<8x512x128xf32, #tpu.memory_space<vmem>>, vector<1x512x128xf32>
    %swap3A_32 = vector.shape_cast %swap3A_31 : vector<1x512x128xf32> to vector<512x128xf32>
    %swap3A_33 = vector.shape_cast %slice3A_27 : vector<512x128xf32> to vector<1x512x128xf32>
    tpu.vector_store %arg4[%swap3A_28, %swap3A_29, %swap3A_30], %swap3A_33 {strides = array<i32>} : memref<8x512x128xf32, #tpu.memory_space<vmem>>, vector<1x512x128xf32>,
    %slice3A_34 = vector.extract_strided_slice %dot_general3A_7 {offsets = [0, 512], sizes = [512, 128], strides = [1, 1]} : vector<512x1024xf32> to vector<512x128xf32>
    %swap3A_35 = arith.constant 4 : index
    %swap3A_36 = arith.constant 0 : index
    %swap3A_37 = arith.constant 0 : index
    %swap3A_38 = vector.load %arg4[%swap3A_35, %swap3A_36, %swap3A_37] : memref<8x512x128xf32, #tpu.memory_space<vmem>>, vector<1x512x128xf32>
    %swap3A_39 = vector.shape_cast %swap3A_38 : vector<1x512x128xf32> to vector<512x128xf32>
    %swap3A_40 = vector.shape_cast %slice3A_34 : vector<512x128xf32> to vector<1x512x128xf32>
    tpu.vector_store %arg4[%swap3A_35, %swap3A_36, %swap3A_37], %swap3A_40 {strides = array<i32>} : memref<8x512x128xf32, #tpu.memory_space<vmem>>, vector<1x512x128xf32>,
    %slice3A_41 = vector.extract_strided_slice %dot_general3A_7 {offsets = [0, 640], sizes = [512, 128], strides = [1, 1]} : vector<512x1024xf32> to vector<512x128xf32>
    %swap3A_42 = arith.constant 5 : index
    %swap3A_43 = arith.constant 0 : index
    %swap3A_44 = arith.constant 0 : index
    %swap3A_45 = vector.load %arg4[%swap3A_42, %swap3A_43, %swap3A_44] : memref<8x512x128xf32, #tpu.memory_space<vmem>>, vector<1x512x128xf32>
    %swap3A_46 = vector.shape_cast %swap3A_45 : vector<1x512x128xf32> to vector<512x128xf32>
    %swap3A_47 = vector.shape_cast %slice3A_41 : vector<512x128xf32> to vector<1x512x128xf32>
    tpu.vector_store %arg4[%swap3A_42, %swap3A_43, %swap3A_44], %swap3A_47 {strides = array<i32>} : memref<8x512x128xf32, #tpu.memory_space<vmem>>, vector<1x512x128xf32>,
    %slice3A_48 = vector.extract_strided_slice %dot_general3A_7 {offsets = [0, 768], sizes = [512, 128], strides = [1, 1]} : vector<512x1024xf32> to vector<512x128xf32>
    %swap3A_49 = arith.constant 6 : index
    %swap3A_50 = arith.constant 0 : index
    %swap3A_51 = arith.constant 0 : index
    %swap3A_52 = vector.load %arg4[%swap3A_49, %swap3A_50, %swap3A_51] : memref<8x512x128xf32, #tpu.memory_space<vmem>>, vector<1x512x128xf32>
    %swap3A_53 = vector.shape_cast %swap3A_52 : vector<1x512x128xf32> to vector<512x128xf32>
    %swap3A_54 = vector.shape_cast %slice3A_48 : vector<512x128xf32> to vector<1x512x128xf32>
    tpu.vector_store %arg4[%swap3A_49, %swap3A_50, %swap3A_51], %swap3A_54 {strides = array<i32>} : memref<8x512x128xf32, #tpu.memory_space<vmem>>, vector<1x512x128xf32>,
    %slice3A_55 = vector.extract_strided_slice %dot_general3A_7 {offsets = [0, 896], sizes = [512, 128], strides = [1, 1]} : vector<512x1024xf32> to vector<512x128xf32>
    %swap3A_56 = arith.constant 7 : index
    %swap3A_57 = arith.constant 0 : index
    %swap3A_58 = arith.constant 0 : index
    %swap3A_59 = vector.load %arg4[%swap3A_56, %swap3A_57, %swap3A_58] : memref<8x512x128xf32, #tpu.memory_space<vmem>>, vector<1x512x128xf32>
    %swap3A_60 = vector.shape_cast %swap3A_59 : vector<1x512x128xf32> to vector<512x128xf32>
    %swap3A_61 = vector.shape_cast %slice3A_55 : vector<512x128xf32> to vector<1x512x128xf32>
    tpu.vector_store %arg4[%swap3A_56, %swap3A_57, %swap3A_58], %swap3A_61 {strides = array<i32>} : memref<8x512x128xf32, #tpu.memory_space<vmem>>, vector<1x512x128xf32>,
    return
  }
  func.func @transform_0(%arg0: i32) -> (i32, i32) {
    %c0_i32 = arith.constant 0 : i32
    %c0_i32_0 = arith.constant 0 : i32
    %c0_i32_1 = arith.constant 0 : i32
    return %c0_i32, %c0_i32_0 : i32, i32
  }
  func.func @transform_1(%arg0: i32) -> (i32, i32) {
    %c0_i32 = arith.constant 0 : i32
    %c0_i32_0 = arith.constant 0 : i32
    return %arg0, %c0_i32 : i32, i32
  }
  func.func @transform_2(%arg0: i32) -> (i32, i32, i32) {
    %c0_i32 = arith.constant 0 : i32
    %c0_i32_0 = arith.constant 0 : i32
    %c0_i32_1 = arith.constant 0 : i32
    %c0_i32_2 = arith.constant 0 : i32
    return %c0_i32, %c0_i32_0, %c0_i32_1 : i32, i32, i32
  }
  func.func @transform_3(%arg0: i32) -> (i32, i32, i32) {
    %c0_i32 = arith.constant 0 : i32
    %c0_i32_0 = arith.constant 0 : i32
    %c0_i32_1 = arith.constant 0 : i32
    return %c0_i32, %arg0, %c0_i32_0 : i32, i32, i32
  }
}

module attributes {stable_mosaic.version = 14 : i64} {
  func.func @_combine_body(%arg0: i32, %arg1: memref<1x400x128xf32, #tpu.memory_space<vmem>>, %arg2: memref<1x400x128xf32, #tpu.memory_space<vmem>>, %arg3: memref<400x128xf32, #tpu.memory_space<vmem>>, %arg4: memref<128x128xf32, #tpu.memory_space<vmem>>, %arg5: memref<1x128xf32, #tpu.memory_space<vmem>>, %arg6: memref<400x128xf32, #tpu.memory_space<vmem>>) attributes {dimension_semantics = [#tpu.dimension_semantics<arbitrary>], iteration_bounds = array<i64: 25>, scalar_prefetch = 0 : i64, scratch_operands = 0 : i64, tpu.core_type = #tpu.core_type<tc>, window_params = [{transform_indices = @transform_0, window_bounds = array<i64: 1, 400, 128>}, {transform_indices = @transform_1, window_bounds = array<i64: 1, 400, 128>}, {transform_indices = @transform_2, window_bounds = array<i64: 400, 128>}, {pipeline_mode = #tpu.pipeline_mode<synchronous>, transform_indices = @transform_3, window_bounds = array<i64: 128, 128>}, {pipeline_mode = #tpu.pipeline_mode<synchronous>, transform_indices = @transform_4, window_bounds = array<i64: 1, 128>}, {transform_indices = @transform_5, window_bounds = array<i64: 400, 128>}]} {
    %get3A = arith.constant 0 : index
    %get3A_0 = arith.constant 0 : index
    %get3A_1 = arith.constant 0 : index
    %get3A_2 = vector.load %arg1[%get3A, %get3A_0, %get3A_1] : memref<1x400x128xf32, #tpu.memory_space<vmem>>, vector<1x400x128xf32>
    %get3A_3 = vector.shape_cast %get3A_2 : vector<1x400x128xf32> to vector<400x128xf32>
    %get3A_4 = arith.constant 0 : index
    %get3A_5 = arith.constant 0 : index
    %get3A_6 = arith.constant 0 : index
    %get3A_7 = vector.load %arg2[%get3A_4, %get3A_5, %get3A_6] : memref<1x400x128xf32, #tpu.memory_space<vmem>>, vector<1x400x128xf32>
    %get3A_8 = vector.shape_cast %get3A_7 : vector<1x400x128xf32> to vector<400x128xf32>
    %add3A = arith.addf %get3A_3, %get3A_8 : vector<400x128xf32>
    %get3A_9 = arith.constant 0 : index
    %get3A_10 = arith.constant 0 : index
    %get3A_11 = vector.load %arg3[%get3A_9, %get3A_10] : memref<400x128xf32, #tpu.memory_space<vmem>>, vector<400x128xf32>
    %get3A_12 = arith.constant 0 : index
    %get3A_13 = arith.constant 0 : index
    %get3A_14 = vector.load %arg4[%get3A_12, %get3A_13] : memref<128x128xf32, #tpu.memory_space<vmem>>, vector<128x128xf32>
    %dot_general3A = arith.constant dense<0.000000e+00> : vector<400x128xf32>
    %dot_general3A_15 = tpu.matmul %get3A_11, %get3A_14, %dot_general3A {dimension_numbers = #tpu.dot_dimension_numbers<[1], [0], [0], [1], [0, 0, 1, 1], [], []>, transpose_lhs_hint = false} : vector<400x128xf32>, vector<128x128xf32>, vector<400x128xf32> -> vector<400x128xf32>
    %add3A_16 = arith.addf %add3A, %dot_general3A_15 : vector<400x128xf32>
    %get3A_17 = arith.constant 0 : index
    %get3A_18 = arith.constant 0 : index
    %get3A_19 = vector.load %arg5[%get3A_17, %get3A_18] : memref<1x128xf32, #tpu.memory_space<vmem>>, vector<1x128xf32>
    %add3A_20 = vector.broadcast %get3A_19 : vector<1x128xf32> to vector<400x128xf32>
    %add3A_21 = arith.addf %add3A_16, %add3A_20 : vector<400x128xf32>
    %swap3A = arith.constant 0 : index
    %swap3A_22 = arith.constant 0 : index
    %swap3A_23 = vector.load %arg6[%swap3A, %swap3A_22] : memref<400x128xf32, #tpu.memory_space<vmem>>, vector<400x128xf32>
    tpu.vector_store %arg6[%swap3A, %swap3A_22], %add3A_21 {strides = array<i32>} : memref<400x128xf32, #tpu.memory_space<vmem>>, vector<400x128xf32>,
    return
  }
  func.func @transform_0(%arg0: i32) -> (i32, i32, i32) {
    %c0_i32 = arith.constant 0 : i32
    %c0_i32_0 = arith.constant 0 : i32
    %c0_i32_1 = arith.constant 0 : i32
    return %c0_i32, %arg0, %c0_i32_0 : i32, i32, i32
  }
  func.func @transform_1(%arg0: i32) -> (i32, i32, i32) {
    %c1_i32 = arith.constant 1 : i32
    %c0_i32 = arith.constant 0 : i32
    %c0_i32_0 = arith.constant 0 : i32
    return %c1_i32, %arg0, %c0_i32 : i32, i32, i32
  }
  func.func @transform_2(%arg0: i32) -> (i32, i32) {
    %c0_i32 = arith.constant 0 : i32
    %c0_i32_0 = arith.constant 0 : i32
    return %arg0, %c0_i32 : i32, i32
  }
  func.func @transform_3(%arg0: i32) -> (i32, i32) {
    %c0_i32 = arith.constant 0 : i32
    %c0_i32_0 = arith.constant 0 : i32
    %c0_i32_1 = arith.constant 0 : i32
    return %c0_i32, %c0_i32_0 : i32, i32
  }
  func.func @transform_4(%arg0: i32) -> (i32, i32) {
    %c0_i32 = arith.constant 0 : i32
    %c0_i32_0 = arith.constant 0 : i32
    %c0_i32_1 = arith.constant 0 : i32
    return %c0_i32, %c0_i32_0 : i32, i32
  }
  func.func @transform_5(%arg0: i32) -> (i32, i32) {
    %c0_i32 = arith.constant 0 : i32
    %c0_i32_0 = arith.constant 0 : i32
    return %arg0, %c0_i32 : i32, i32
  }
}

</mosaic_0001>

<sc_bundles>
// kernel: kernel.5.cloned.1.call-start
scs
__scs_entry_jumppad:
0x0: {  	(pc) =	sbr.rel $0x88, $3  }
0x1: {  	(tag) =	ssettag $0x0;
	lr =	simm.s32 $0x1  }
0x2: {  	[smem:$0x3F9A] =	sst lr;
	_ =	strace $0xD0000000  }
0x3: {  	_ = 	snop  }
0x4: {  	_ = 	snop  }
0x5: {  	_ = 	snop  }
0x6: {  	_ = 	snop  }
0x7: {  	_ = 	snop  }
__scs_overlays_trampoline_lowered:
0x8: {  	[smem:$0x3FA9] =	sst s0  }
0x9: {  	[smem:$0x3FAA] =	sst s1  }
0xa: {  	[smem:$0x3FAB] =	sst s2  }
0xb: {  	[smem:$0x3FAC] =	sst s3  }
0xc: {  	[smem:$0x3FAD] =	sst s4  }
0xd: {  	[smem:$0x3FAE] =	sst s5  }
0xe: {  	[smem:$0x3FAF] =	sst s6  }
0xf: {  	[smem:$0x3FB0] =	sst s7  }
0x10: {  	[smem:$0x3FB1] =	sst s8  }
0x11: {  	[smem:$0x3FB2] =	sst s9;
	s0 =	simm.s32 @!p0 $0x0  }
0x12: {  	s1 =	sld [smem:$0x3F98];
	s0 =	simm.s32 @p0 $0x1  }
0x13: {  	[smem:$0x3FB3] =	sst s0;
	s0 =	simm.s32 @!p1 $0x0  }
0x14: {  	s2 =	sld [smem:$0x3F97];
	s0 =	simm.s32 @p1 $0x1  }
0x15: {  	[smem:$0x3FB4] =	sst s0;
	s0 =	simm.s32 @!p2 $0x0  }
0x16: {  	s3 =	sld [smem:$0x3FDB];
	s0 =	simm.s32 @p2 $0x1  }
0x17: {  	s4 =	simm.s32 $0x1BF5;
	[smem:$0x3FB6] =	sst s0  }
0x18: {  	s0 =	sld [smem:$0x3F99];
	_ =	swait.ge [sflag:s4], $0x0  }
0x19: {  	s7 =	sld [smem:$0x3F9A]  }
0x1a: {  	s8 =	sadd.s32 $0xFFFFE003, lr  }
0x1b: {  	s9 =	sadd.s32 $0xFFFFFEF7, lr;
	s5 =	simm.s32 $0xFFFFFFFF;
	p2 =	slt.u32 s8, $0xFFFFF086  }
0x1c: {  	p1 =	slt.u32 s9, $0xF7A;
	s5 =	simm.s32 @!p2 $0x0  }
0x1d: {  	s5 =	simm.s32 @p1 $0x1;
	p0 =	seq.s32 s7, s2  }
0x1e: {  	s7 =	smul.u32 @!p0 $0xF7A, s2;
	p2 =	seq.s32 @!p0 s5, $0x0  }
0x1f: {  	s9 =	smul.u32 $0xF7A, s1;
	s8 =	simm.s32 @!p0 $0x1BF5;
	p2 =	por !p2, p0  }
0x20: {  	[sflag:s8] =	ssyncset.s32 @!p0 $0xFFFFF086;
	s6 =	sadd.s32 @!p0 s3, s7;
	s7 =	simm.s32 @!p0 $0x108  }
0x21: {  	s3 =	sadd.s32 s3, s9;
	s6 =	sadd.s32 @!p0 $0x88, s6;
	s7 =	simm.s32 @p2 $0x1082  }
0x22: {  	[simem:s7], [sflag:s8] =	dma.local @!p0 [hbm:s6], $0xF7A  }
0x23: {  	s9 =	sor.u32 $0xD0000000, s2;
	s6 =	simm.s32 $0x108;
	_ =	swait.ge @!p0 [sflag:s8], $0x0  }
0x24: {  	s3 =	sadd.s32 $0x88, s3;
	s6 =	simm.s32 @!p1 $0x1082;
	[sflag:s4] =	ssyncset.s32 $0xFFFFF086  }
0x25: {  	[simem:s6], [sflag:s4] =	dma.local [hbm:s3], $0xF7A  }
0x26: {  	[smem:$0x3F9A] =	sst s1;
	(tag) =	ssettag s2;
	_ =	strace s9  }
0x27: {  	s1 =	sld [smem:$0x3FAA]  }
0x28: {  	s2 =	sld [smem:$0x3FAB]  }
0x29: {  	s4 =	sld [smem:$0x3FAD]  }
0x2a: {  	p0 =	seq.s32 s5, $0x0;
	s5 =	sld [smem:$0x3FAE]  }
0x2b: {  	s6 =	sld [smem:$0x3FAF]  }
0x2c: {  	s7 =	sld [smem:$0x3FB0]  }
0x2d: {  	s3 =	simm.s32 $0x108;
	s8 =	sld [smem:$0x3FB1]  }
0x2e: {  	s3 =	simm.s32 @!p0 $0x1082;
	s9 =	sld [smem:$0x3FB2]  }
0x2f: {  	lr =	sadd.s32 s0, s3;
	s0 =	sld [smem:$0x3FA9]  }
0x30: {  	s3 =	sld [smem:$0x3FAC]  }
0x31: {  	[smem:$0x3FB5] =	sst s10  }
0x32: {  	s10 =	sld [smem:$0x3FB3];
	_ =	sdelay $0x3  }
0x33: {  	p0 =	seq.s32 s10, $0x1;
	s10 =	sld [smem:$0x3FB5];
	_ =	sdelay $0x3  }
0x34: {  	[smem:$0x3FB5] =	sst s10  }
0x35: {  	s10 =	sld [smem:$0x3FB4];
	_ =	sdelay $0x3  }
0x36: {  	p1 =	seq.s32 s10, $0x1;
	s10 =	sld [smem:$0x3FB5];
	_ =	sdelay $0x3  }
0x37: {  	[smem:$0x3FB5] =	sst s10  }
0x38: {  	s10 =	sld [smem:$0x3FB6]  }
0x39: {  	_ = 	snop;
	(pc) =	sbr.ind lr, $3  }
0x3a: {  	_ = 	snop  }
0x3b: {  	_ = 	snop  }
0x3c: {  	p2 =	seq.s32 s10, $0x1;
	s10 =	sld [smem:$0x3FB5]  }
0x3d: {  	_ =	shalt  }
0x3e: {  	_ =	shalt  }
0x3f: {  	_ =	shalt  }
0x40: {  	_ =	shalt  }
0x41: {  	_ =	shalt  }
0x42: {  	_ =	shalt  }
0x43: {  	_ =	shalt  }
0x44: {  	_ =	shalt  }
0x45: {  	_ =	shalt  }
0x46: {  	_ =	shalt  }
0x47: {  	_ =	shalt  }
0x48: {  	_ =	shalt  }
0x49: {  	_ =	shalt  }
0x4a: {  	_ =	shalt  }
0x4b: {  	_ =	shalt  }
0x4c: {  	_ =	shalt  }
0x4d: {  	_ =	shalt  }
0x4e: {  	_ =	shalt  }
0x4f: {  	_ =	shalt  }
0x50: {  	_ =	shalt  }
0x51: {  	_ =	shalt  }
0x52: {  	_ =	shalt  }
0x53: {  	_ =	shalt  }
0x54: {  	_ =	shalt  }
0x55: {  	_ =	shalt  }
0x56: {  	_ =	shalt  }
0x57: {  	_ =	shalt  }
0x58: {  	_ =	shalt  }
0x59: {  	_ =	shalt  }
0x5a: {  	_ =	shalt  }
0x5b: {  	_ =	shalt  }
0x5c: {  	_ =	shalt  }
0x5d: {  	_ =	shalt  }
0x5e: {  	_ =	shalt  }
0x5f: {  	_ =	shalt  }
0x60: {  	_ =	shalt  }
0x61: {  	_ =	shalt  }
0x62: {  	_ =	shalt  }
0x63: {  	_ =	shalt  }
0x64: {  	_ =	shalt  }
0x65: {  	_ =	shalt  }
0x66: {  	_ =	shalt  }
0x67: {  	_ =	shalt  }
0x68: {  	_ =	shalt  }
0x69: {  	_ =	shalt  }
0x6a: {  	_ =	shalt  }
0x6b: {  	_ =	shalt  }
0x6c: {  	_ =	shalt  }
0x6d: {  	_ =	shalt  }
0x6e: {  	_ =	shalt  }
0x6f: {  	_ =	shalt  }
0x70: {  	_ =	shalt  }
0x71: {  	_ =	shalt  }
0x72: {  	_ =	shalt  }
0x73: {  	_ =	shalt  }
0x74: {  	_ =	shalt  }
0x75: {  	_ =	shalt  }
0x76: {  	_ =	shalt  }
0x77: {  	_ =	shalt  }
0x78: {  	_ =	shalt  }
0x79: {  	_ =	shalt  }
0x7a: {  	_ =	shalt  }
0x7b: {  	_ =	shalt  }
0x7c: {  	_ =	shalt  }
0x7d: {  	_ =	shalt  }
0x7e: {  	_ =	shalt  }
0x7f: {  	_ =	shalt  }
0x80: {  	_ =	shalt  }
0x81: {  	_ =	shalt  }
0x82: {  	_ =	shalt  }
0x83: {  	_ =	shalt  }
0x84: {  	_ =	shalt  }
0x85: {  	_ =	shalt  }
0x86: {  	_ =	shalt  }
0x87: {  	_ =	shalt  }
.Lfunc_end0:
.L_simem_size_0:
called_computation_lowered:
.L_overlay_start_0:
0x88: {  	s2 =	sld [smem:$0x3FD9]  }
0x89: {  	s3 =	sld [smem:$0x3FFE];
	_ =	sdelay $0x1  }
0x8a: {  	s1 =	srdreg.scid  }
0x8b: {  	s0 =	sand.u32 $0x1, s1  }
0x8c: {  	s17 =	sshll.u32 s0, $0xA;
	s2 =	sadd.s32 s3, s2  }
0x8d: {  	s2 =	sadd.s32 s2, s17  }
0x8e: {  	[smem:$0x3FC1] =	sst s2  }
0x8f: {  	_ = 	snop  }
0x90: {  	s2 =	sld [smem:$0x3FD0];
	(tm) =	ssettm $0x1  }
0x91: {  	s18 =	sld [smem:$0x3FFB];
	_ =	sdelay $0x3  }
0x92: {  	_ =	strace s18  }
0x93: {  	s3 =	sld [smem:$0x3FFC];
	_ =	sdelay $0x3  }
0x94: {  	_ =	strace s3  }
0x95: {  	s3 =	sld [smem:$0x3FFD];
	_ =	sdelay $0x3  }
0x96: {  	_ =	strace s3  }
0x97: {  	_ =	strace $0x8FFFFFFF  }
0x98: {  	s19 =	sld [smem:$0x3FDB];
	_ =	sdelay $0x1  }
0x99: {  	s4 =	simm.s32 $_scs_section_size  }
0x9a: {  	s5 =	simm.s32 $_size__tile_overlayer_lowered;
	s6 =	simm.s32 $_tile_overlayer_lowered  }
0x9b: {  	s22 =	simm.s32 $0x1BFF;
	s21 =	sshll.u32 s6, $0x1;
	s3 =	sadd.s32 s4, s19  }
0x9c: {  	s7 =	simm.s32 $0x0;
	s20 =	sshll.u32 s5, $0x1;
	s5 =	sadd.s32 s21, s3  }
0x9d: {  	[timem:s7], [sflag:s22] =	dma.local [hbm:s5], s20  }
0x9e: {  	_ =	swait.ge [sflag:s22], s20  }
0x9f: {  	s4 =	ssub.s32 $0x0, s20;
	[sflag:s22] =	ssyncset.done $0x0  }
0xa0: {  	[sflag:s22] =	ssyncadd.s32 s4;
	_ =	sdelay $0x1  }
0xa1: {  	s23 =	simm.s32 $0x1B8B  }
0xa2: {  	_ =	swait.ge [sflag:s23], $0x1  }
0xa3: {  	[sflag:s23] =	ssyncset.done $0x0  }
0xa4: {  	s25 =	simm.s32 $0x1B8E;
	s24 =	sld [smem:$0x3FFE];
	[sflag:s23] =	ssyncadd.s32 $0xFFFFFFFF  }
0xa5: {  	s26 =	simm.s32 $execute0_lowered;
	[smem:$0x3FD2] =	sst s25  }
0xa6: {  	s5 =	sshll.u32 s26, $0x1;
	_ =	strace $0x80000046;
	[dreg:$0x1] =	wrdreg $0xFFFFFFFF  }
0xa7: {  	s28 =	simm.s32 $_size_execute0_lowered;
	s3 =	sadd.s32 s3, s5;
	[dreg:$0x0] =	wrdreg $0x0  }
0xa8: {  	s5 =	sshll.u32 s28, $0x1;
	[dreg:$0x2] =	wrdreg s3  }
0xa9: {  	[dreg:$0x3] =	wrdreg s5  }
0xaa: {  	[dreg:$0x4] =	wrdreg $0xC0  }
0xab: {  	_ =	task [dreg:s7], $0x5FFFF  }
0xac: {  	[dreg:$0x1] =	wrdreg $0xFFFFFFFF  }
0xad: {  	[dreg:$0x0] =	wrdreg $0x60  }
0xae: {  	[dreg:$0x2] =	wrdreg s24  }
0xaf: {  	[dreg:$0x3] =	wrdreg s2  }
0xb0: {  	[dreg:$0x4] =	wrdreg $0xB7000  }
0xb1: {  	[dreg:$0x5] =	wrdreg $0x9  }
0xb2: {  	_ =	task.clear_ibuf [dreg:s7], $0x6FFFF;
	_ =	strace $0x90000046  }
0xb3: {  	s29 =	simm.s32 $0x9;
	_ =	strace $0x80000048  }
0xb4: {  	_ =	swait.ge [sflag:s29], $0x1  }
0xb5: {  	[sflag:s29] =	ssyncadd.s32 $0xFFFFFFFF  }
0xb6: {  	_ =	strace $0x90000048  }
0xb7: {  	_ =	sfence  }
0xb8: {  	s30 =	sld [smem:$0x0];
	_ =	sdelay $0x2  }
0xb9: {  	s31 =	sshll.u32 s1, $0xD;
	s1 =	sshrl.u32 s1, $0x2  }
0xba: {  	s3 =	sand.u32 $0x4000, s31;
	s1 =	sadd.s32 s1, s30  }
0xbb: {  	s0 =	sor.u32 s3, s0;
	s1 =	sshll.u32 s1, $0x11  }
0xbc: {  	s0 =	sor.u32 s1, s0  }
0xbd: {  	s0 =	sadd.s32 $0x8F2B, s0  }
0xbe: {  	[sflag:s0] =	ssyncadd.remote.s32 $0x1  }
0xbf: {  	_ =	sfence.sel $0xFFFF  }
0xc0: {  	[dreg:$0x0] =	wrdreg $0xFFFFFFFF;
	(pc) =	sbr.abs _section_cstart, $3  }
0xc1: {  	[dreg:$0x1] =	wrdreg $0xFFFFFFFF  }
0xc2: {  	_ =	task.clear_ibuf [dreg:s7], $0x2FFFF;
	_ =	strace $0x9FFFFFFF  }
0xc3: {  	(tm) =	ssettm $0x7FFFFFFF  }
tec
execute0_lowered:
.L_overlay_start_1:
0x0: {  	(tag) =	ssettag $0x1  }
0x1: {  	s5 =	rddreg [dreg:$0x0]  }
0x2: {  	s9 =	rddreg [dreg:$0x1];
	s1 =	srdreg.scid  }
0x3: {  	s0 =	stileid.u32;
	s2 =	rddreg [dreg:$0x2];
	s14 =	simm.s32 $0x80  }
0x4: {  	s15 =	simm.s32 $0x400;
	s16 =	simm.s32 $0x2780;
	s17 =	simm.s32 $0x4F00  }
0x5: {  	s18 =	simm.s32 $0x7700;
	s19 =	simm.s32 $0x1;
	s20 =	simm.s32 $0x0  }
0x6: {  	s6 =	sand.u32 $0x1, s1;
	s3 =	sshll.u32 s0, $0x1;
	s10 =	smul.u32 $0x14000, s0  }
0x7: {  	s1 =	rddreg [dreg:$0x3];
	s4 =	sshrl.u32 s0, $0x2;
	s13 =	smul.u32 $0x50000, s0  }
0x8: {  	s30 =	sshll.u32 s0, $0x6;
	s7 =	sor.u32 s6, s3;
	s4 =	smul.u32 $0x13C00, s4  }
0x9: {  	s3 =	simm.s32 $0x0;
	s11 =	smul.u32 $0x140000, s6;
	s6 =	ssub.s32 $0x2, s6  }
0xa: {  	s8 =	sshll.u32 s7, $0x7;
	[smem:$0x7FF] =	sst s3;
	s12 =	sshrl.u32 s10, $0x3  }
0xb: {  	s29 =	sshrl.u32 s6, $0x1;
	s13 =	sshrl.u32 s13, $0x2;
	s31 =	smul.u32 $0x500, s7  }
0xc: {  	s8 =	sand.u32 $0x380, s8;
	_ =	strace $0x80000047;
	s12 =	sadd.s32 s12, s5  }
0xd: {  	s10 =	sadd.s32 s10, s11;
	s11 =	ssub.s32 s6, s29;
	s13 =	sadd.s32 s13, s2  }
0xe: {  	s6 =	sor.u32 $0x1C02, s30;
	s8 =	sor.u32 s4, s8;
	s4 =	sadd.s32 $0x14A00, s5  }
0xf: {  	s10 =	sshrl.u32 s10, $0x3;
	s9 =	sadd.s32 s9, s31;
	s8 =	sshrl.u32 s8, $0x3  }
0x10: {  	s11 =	smax.u32 s11, $0x1;
	s10 =	sadd.s32 s10, s5;
	s8 =	sadd.s32 s8, s5  }
0x11: {  	s5 =	sadd.s32 $0x154A00, s12;
	s10 =	sadd.s32 $0x17CA00, s10;
	s12 =	sshrl.u32 s13, $0x3  }
0x12: {  	s13 =	simm.s32 $0x2;
	s7 =	sadd.s32 $0xAC00, s8;
	s8 =	sadd.s32 $0xE00, s8  }
.LBB2_1:
0x13: {  	[spmem:s12], [sflag:s6] =	dma.local [hbm:s5], $0x2800  }
0x14: {  	_ =	swait.ge [sflag:s13], $0x2800  }
0x15: {  	[sflag:s13] =	ssyncset.done $0x0  }
0x16: {  	[sflag:s13] =	ssyncadd.s32 $0xFFFFD800  }
0x17: {  	[tilespmem:s3], [sflag:$0x2] =	stream.strided.gather [hbm4b:s7+s14], $0x2780, s15, s14, $0x38;
	[tilespmem:$0x1F700] =	vst v63  }
0x18: {  	_ =	swait.ge [sflag:s13], $0x2780  }
0x19: {  	[sflag:s13] =	ssyncset.done $0x0  }
0x1a: {  	[sflag:s13] =	ssyncadd.s32 $0xFFFFD880  }
0x1b: {  	[tilespmem:s16], [sflag:$0x2] =	stream.strided.gather [hbm4b:s8+s14], $0x2780, s15, s14, $0x38;
	[tilespmem:$0x1F700] =	vst v63  }
0x1c: {  	_ =	swait.ge [sflag:s13], $0x2780  }
0x1d: {  	[sflag:s13] =	ssyncset.done $0x0  }
0x1e: {  	[sflag:s13] =	ssyncadd.s32 $0xFFFFD880  }
0x1f: {  	[tilespmem:s17], [sflag:$0x2] =	stream.linear.gather [hbm4b:s9+s3], $0x2780, $0x38;
	[tilespmem:$0x1F700] =	vst v63  }
0x20: {  	_ =	swait.ge [sflag:s13], $0x2780  }
0x21: {  	[sflag:s13] =	ssyncset.done $0x0  }
0x22: {  	s21 =	simm.s32 $0x0;
	[sflag:s13] =	ssyncadd.s32 $0xFFFFD880  }
0x23: {  	v1 =	vld [tilespmem:s21+$0x2780];
	_ =	sdelay $0x1  }
0x24: {  	v0 =	vld [tilespmem:s21+$0x0];
	_ =	sdelay $0x2  }
0x25: {  	v1 =	vmul.u32 $0x2800, v1  }
0x26: {  	s22 =	simm.s32 $0x10;
	s23 =	simm.s32 $0x80  }
.LBB2_2:
0x27: {  	p0 =	sne.s32 s23, $0x9DC0;
	v2 =	vld [tilespmem:s22+$0x2780];
	v0 =	vadd.s32 v0, v1  }
0x28: {  	[tilespmem:s21+$0x0] =	vst v0;
	s21 =	smov.u32 s22  }
.Ltmp0:
0x29: {  	v0 =	vld [tilespmem:s21+$0x0];
	(pc) =	sbr.rel @p0 .LBB2_2-.Ltmp0, $3  }
0x2a: {  	_ =	sdelay $0x1  }
0x2b: {  	v1 =	vmul.u32 $0x2800, v2  }
0x2c: {  	s22 =	sshra.s32 s23, $0x2;
	s23 =	sadd.s32 $0x40, s23  }
0x2d: {  	v2 =	vld [tilespmem:s22+$0x2780];
	v0 =	vadd.s32 v0, v1  }
0x2e: {  	[tilespmem:s21+$0x0] =	vst v0  }
0x2f: {  	v0 =	vld [tilespmem:s22+$0x0];
	_ =	sdelay $0x2  }
0x30: {  	v63 =	vmul.u32 $0x2800, v2;
	_ =	sdelay $0x1  }
0x31: {  	v0 =	vadd.s32 v0, v63  }
0x32: {  	[tilespmem:s22+$0x0] =	vst v0  }
0x33: {  	s30 =	simm.s32 $0x0;
	[bflag:$0x0] =	sbarrier.arrive $0xFFFF  }
0x34: {  	[tilespmem:s18], [sflag:$0x1] =	stream.indirect.gather [hbm4b:s4+s14], $0x80, s30, s14, $0xb8;
	[tilespmem:$0x1F700] =	vst v63  }
0x35: {  	_ =	swait.ge [sflag:s19], $0x4000  }
0x36: {  	[sflag:s19] =	ssyncset.done $0x0  }
0x37: {  	s31 =	simm.s32 $0x4F00;
	[sflag:s19] =	ssyncadd.s32 $0xFFFFC000  }
0x38: {  	[spmem:s2] =	stream.indirect.scatter.add.f32 [tilespmem:s18], [sflag:$0x2], $0x80, s31, s14, $0xb8;
	[tilespmem:$0x1F700] =	vst v63  }
0x39: {  	_ =	swait.ge [sflag:s13], $0x4000  }
0x3a: {  	s21 =	simm.s32 $0x200;
	s22 =	simm.s32 $0x400;
	[sflag:s13] =	ssyncset.done $0x0  }
.LBB2_4:
0x3b: {  	s23 =	sshra.s32 s21, $0x2  }
0x3c: {  	[sflag:s13] =	ssyncadd.s32 $0xFFFFC000;
	s21 =	smov.u32 s22;
	s24 =	sadd.s32 $0x200, s22  }
0x3d: {  	[tilespmem:s18], [sflag:$0x1] =	stream.indirect.gather [hbm4b:s4+s14], $0x80, s23, s14, $0xb8;
	[tilespmem:$0x1F700] =	vst v63  }
0x3e: {  	p0 =	sne.s32 s22, $0x9C00;
	_ =	swait.ge [sflag:s19], $0x4000  }
.Ltmp1:
0x3f: {  	[sflag:s19] =	ssyncset.done $0x0;
	(pc) =	sbr.rel @p0 .LBB2_4-.Ltmp1, $4  }
0x40: {  	s22 =	sadd.s32 $0x4F00, s23;
	[sflag:s19] =	ssyncadd.s32 $0xFFFFC000  }
0x41: {  	[spmem:s2] =	stream.indirect.scatter.add.f32 [tilespmem:s18], [sflag:$0x2], $0x80, s22, s14, $0xb8;
	[tilespmem:$0x1F700] =	vst v63  }
0x42: {  	_ =	swait.ge [sflag:s13], $0x4000  }
0x43: {  	s22 =	smov.u32 s24;
	[sflag:s13] =	ssyncset.done $0x0  }
0x44: {  	s21 =	sshra.s32 s21, $0x2;
	[sflag:s13] =	ssyncadd.s32 $0xFFFFC000  }
0x45: {  	[tilespmem:s18], [sflag:$0x1] =	stream.indirect.gather [hbm4b:s4+s14], $0x80, s21, s14, $0xb8;
	[tilespmem:$0x1F700] =	vst v63  }
0x46: {  	_ =	swait.ge [sflag:s19], $0x4000  }
0x47: {  	[sflag:s19] =	ssyncset.done $0x0  }
0x48: {  	s21 =	sadd.s32 $0x4F00, s21;
	[sflag:s19] =	ssyncadd.s32 $0xFFFFC000  }
0x49: {  	[spmem:s2] =	stream.indirect.scatter.add.f32 [tilespmem:s18], [sflag:$0x2], $0x80, s21, s14, $0xb8;
	[tilespmem:$0x1F700] =	vst v63  }
0x4a: {  	_ =	swait.ge [sflag:s13], $0x4000  }
0x4b: {  	s20 =	sadd.s32 $0x1, s20;
	[sflag:s13] =	ssyncset.done $0x0  }
0x4c: {  	p0 =	sne.s32 s20, s11;
	[sflag:s13] =	ssyncadd.s32 $0xFFFFC000  }
.Ltmp2:
0x4d: {  	[bflag:$0x0] =	sbarrier.arrive $0xFFFF;
	(pc) =	sbr.rel @p0 .LBB2_1-.Ltmp2, $4  }
0x4e: {  	[hbm:s10], [sflag:s6] =	dma.local [spmem:s12], $0x2800  }
0x4f: {  	_ =	swait.ge [sflag:s13], $0x2800  }
0x50: {  	[sflag:s13] =	ssyncset.done $0x0  }
0x51: {  	[sflag:s13] =	ssyncadd.s32 $0xFFFFD800  }
0x52: {  	_ =	sfence.sel $0x180000  }
0x53: {  	[bflag:$0x0] =	sbarrier.arrive $0xFFFF  }
0x54: {  	p0 =	sne.s32 s0, $0x0;
	_ =	strace $0x90000047  }
0x55: {  	s0 =	sadd.s32 @!p0 $0x100000, s1;
	[bflag:$0x2] =	sbarrier.arrive $0xFFFF  }
0x56: {  	[sflag:s0] =	ssyncadd.tile.s32 @!p0 $0x1;
	_ =	shalt  }
.Lfunc_end2:
_tile_overlayer_lowered:
.L_overlay_start_2:
0x57: {  	(tag) =	ssettag $0x2  }
0x58: {  	s0 =	rddreg [dreg:$0x0];
	s2 =	stileid.u32  }
0x59: {  	s1 =	rddreg [dreg:$0x1];
	p0 =	sne.s32 s2, $0x0  }
0x5a: {  	s3 =	rddreg [dreg:$0x2];
	[bflag:$0x3] =	sbarrier.arrive $0xFFFF;
	s2 =	simm.s32 @!p0 $0x1C02  }
0x5b: {  	[timem:s3], [sflag:s2] =	dma.local @!p0 [hbm:s0], s1  }
0x5c: {  	s0 =	simm.s32 @!p0 $0x2  }
0x5d: {  	_ =	swait.ge @!p0 [sflag:s0], s1  }
0x5e: {  	s1 =	ssub.s32 @!p0 $0x0, s1;
	[sflag:s0] =	ssyncset.done @!p0 $0x0  }
0x5f: {  	[sflag:s0] =	ssyncadd.s32 @!p0 s1  }
0x60: {  	[bflag:$0x3] =	sbarrier.arrive $0xFFFF  }
0x61: {  	_ =	shalt  }

</sc_bundles>
